<compile_context>
chip_gen: v7x
topology: tpu7x:2x2x1
jax: 0.10.2.dev20260603
libtpu: 0.0.44.dev20260713+nightly
codegen_flags: <defaults>
</compile_context>

<pallas_src>
import functools

import jax
import jax.numpy as jnp
from jax import lax
from jax.experimental import pallas as pl
from jax.experimental.pallas import tpu as pltpu
from jax.experimental.pallas import tpu_sc as plsc

_N = 6
_L = 16


def _threefry6(counter, k_vec):
    ks0 = jnp.zeros((_L,), jnp.uint32)
    ks1 = k_vec
    ks2 = ks1 ^ jnp.uint32(0x1BD11BDA)
    ks = (ks0, ks1, ks2)
    x0 = ks0
    x1 = counter.astype(jnp.uint32) + ks1
    rot = ((13, 15, 26, 6), (17, 29, 16, 24))
    for i in range(5):
        for r in rot[i % 2]:
            x0 = x0 + x1
            x1 = (x1 << jnp.uint32(r)) | (x1 >> jnp.uint32(32 - r))
            x1 = x1 ^ x0
        x0 = x0 + ks[(i + 1) % 3]
        x1 = x1 + ks[(i + 2) % 3] + jnp.uint32(i + 1)
    return x0 ^ x1


def _log(x):
    b = lax.bitcast_convert_type(x, jnp.int32)
    e = (b >> 23) - 127
    m = lax.bitcast_convert_type((b & 0x7FFFFF) | 0x3F800000, jnp.float32)
    big = m >= jnp.float32(1.5)
    m = jnp.where(big, m * jnp.float32(0.5), m)
    e = jnp.where(big, e + 1, e)
    ef = e.astype(jnp.float32)
    t = (m - jnp.float32(1.0)) / (m + jnp.float32(1.0))
    t2 = t * t
    p = jnp.full((_L,), 1.0 / 15, jnp.float32)
    for c in (1.0 / 13, 1.0 / 11, 1.0 / 9, 1.0 / 7, 1.0 / 5, 1.0 / 3):
        p = p * t2 + jnp.float32(c)
    logm = t * (t2 * p * jnp.float32(2.0))
    logm = logm + t
    logm = logm + t
    r = ef * jnp.float32(-2.12194440e-4)
    r = r + logm
    r = r + ef * jnp.float32(0.693359375)
    return r


def _argmax6(vals, valid=None):
    m = jnp.float32(-jnp.inf)
    idx = jnp.int32(0)
    for i in range(_N):
        c = vals[i] > m
        if valid is not None:
            c = c & valid[i]
        m = jnp.where(c, vals[i], m)
        idx = jnp.where(c, jnp.int32(i), idx)
    return m, idx


def _sc_body(seed_hbm, sp_hbm, best_hbm, second_hbm, pb_hbm, ps_hbm,
             seed_v, sp_v, outi_v, outf_v):
    wid = lax.axis_index("s") * 2 + lax.axis_index("c")

    @pl.when(wid == 0)
    def _():
        pltpu.sync_copy(seed_hbm, seed_v.at[pl.ds(0, 1)])
        pltpu.sync_copy(sp_hbm, sp_v.at[pl.ds(0, _N)])

        seed_s = seed_v[...][0]
        k = (seed_s % 50).astype(jnp.uint32)
        k_vec = jnp.broadcast_to(k, (_L,))

        lanes = lax.broadcasted_iota(jnp.int32, (_L,), 0)
        bits = _threefry6(lanes, k_vec)

        fb = (bits >> jnp.uint32(9)) | jnp.uint32(0x3F800000)
        f = lax.bitcast_convert_type(fb, jnp.float32) - jnp.float32(1.0)
        u = jnp.maximum(jnp.float32(1e-10), f + jnp.float32(1e-10))
        g = -_log(-_log(u))

        spv = sp_v[...]
        zv = spv + g
        zs = [zv[i] for i in range(_N)]
        sps = [spv[i] for i in range(_N)]

        _, best = _argmax6(zs)
        _, i0 = _argmax6(sps)
        _, i1 = _argmax6(sps, [i0 != i for i in range(_N)])
        _, i2 = _argmax6(sps, [(i0 != i) & (i1 != i) for i in range(_N)])
        second = jnp.where(i1 != best, i1, i2)

        outi_v[...] = jnp.broadcast_to(best, (_L,))
        pltpu.sync_copy(outi_v.at[pl.ds(0, 8)], best_hbm)
        outi_v[...] = jnp.broadcast_to(second, (_L,))
        pltpu.sync_copy(outi_v.at[pl.ds(0, 8)], second_hbm)
        outf_v[...] = jnp.full((_L,), 1.0, jnp.float32)
        pltpu.sync_copy(outf_v.at[pl.ds(0, 8)], pb_hbm)
        outf_v[...] = jnp.full((_L,), 0.0, jnp.float32)
        pltpu.sync_copy(outf_v.at[pl.ds(0, 8)], ps_hbm)


_sc_kernel = functools.partial(
    pl.kernel,
    out_type=(
        jax.ShapeDtypeStruct((8,), jnp.int32),
        jax.ShapeDtypeStruct((8,), jnp.int32),
        jax.ShapeDtypeStruct((8,), jnp.float32),
        jax.ShapeDtypeStruct((8,), jnp.float32),
    ),
    mesh=plsc.VectorSubcoreMesh(core_axis_name="c", subcore_axis_name="s"),
    scratch_types=[
        pltpu.VMEM((_L,), jnp.int32),
        pltpu.VMEM((_L,), jnp.float32),
        pltpu.VMEM((_L,), jnp.int32),
        pltpu.VMEM((_L,), jnp.float32),
    ],
)(_sc_body)


def kernel(select_p, seed):
    seed_arr = jnp.asarray(seed, jnp.int32).reshape((1,))
    b, s, pb, ps = _sc_kernel(seed_arr, select_p.astype(jnp.float32))
    return (b[0], s[0], pb[0], ps[0])

# --- scband reference (transcript-rebuilt; emitter-appended) ---
"""Pipeline reference for scband-distance-learner-81071802679511 (READ-ONLY COPY).

The authoritative reference and input builder live on the scoring server;
editing this copy changes nothing except your own understanding.
"""

import jax, jax.numpy as jnp
import numpy as np


def setup_inputs() -> dict:
    # learned parameter: select_p initialized as zeros(6)+1e-4 with index 3 set to 0.1
    init_p = jnp.zeros(6, dtype=jnp.float32) + 0.0001
    init_p = init_p.at[3].set(0.1)
    seed = 7
    return {"select_p": init_p, "seed": seed}


def _gumbel_softmax_hard(logits, key, tau=1.0):
    u = jax.random.uniform(key, logits.shape, dtype=logits.dtype, minval=1e-10, maxval=1.0)
    g = -jnp.log(-jnp.log(u))
    y_soft = jax.nn.softmax((logits + g) / tau, axis=-1)
    hard_idx = jnp.argmax(y_soft, axis=-1)
    y_hard = jax.nn.one_hot(hard_idx, logits.shape[-1], dtype=y_soft.dtype)
    # straight-through estimator, same as torch F.gumbel_softmax(hard=True)
    return y_hard - jax.lax.stop_gradient(y_soft) + y_soft


def reference(select_p, seed):
    # torch.sort(select_p, descending=True) -> values a, indices idx
    idx = jnp.argsort(-select_p)
    # torch.manual_seed(seed % 50) -> deterministic RNG keyed on seed % 50
    key = jax.random.key(seed % 50)
    p = _gumbel_softmax_hard(select_p, key)
    best_index = jnp.argmax(p)
    second_index = jnp.where(idx[1] != best_index, idx[1], idx[2])
    p_best = p[best_index]
    p_second = p[second_index]
    return (best_index, second_index, p_best, p_second)

if __name__ == "__main__":
    import jax
    _d = setup_inputs()
    print(jax.jit(kernel)(*tuple(_d.values())))

</pallas_src>

<mosaic_0001>
#map = affine_map<(d0, d1) -> (0)>
module attributes {stable_mosaic.version = 14 : i64} {
  func.func @_sc_body(%arg0: i32, %arg1: i32, %arg2: memref<1xi32, #tpu.memory_space<hbm>>, %arg3: memref<6xf32, #tpu.memory_space<hbm>>, %arg4: memref<8xi32, #tpu.memory_space<hbm>>, %arg5: memref<8xi32, #tpu.memory_space<hbm>>, %arg6: memref<8xf32, #tpu.memory_space<hbm>>, %arg7: memref<8xf32, #tpu.memory_space<hbm>>, %arg8: memref<16xi32, #tpu.memory_space<vmem>>, %arg9: memref<16xf32, #tpu.memory_space<vmem>>, %arg10: memref<16xi32, #tpu.memory_space<vmem>>, %arg11: memref<16xf32, #tpu.memory_space<vmem>>) attributes {dimension_semantics = [#tpu.dimension_semantics<core_parallel>, #tpu.dimension_semantics<subcore_parallel>], iteration_bounds = array<i64: 2, 16>, scalar_prefetch = 0 : i64, scratch_operands = 4 : i64, tpu.core_type = #tpu.core_type<sc_vector_subcore>, window_params = [{transform_indices = #map}, {transform_indices = #map}, {transform_indices = #map}, {transform_indices = #map}, {transform_indices = #map}, {transform_indices = #map}]} {
    %mul3A = arith.constant 2 : i32
    %mul3A_0 = arith.muli %arg1, %mul3A : i32
    %add3A = arith.addi %mul3A_0, %arg0 : i32
    %eq3A = arith.constant 0 : i32
    %eq3A_1 = arith.cmpi eq, %add3A, %eq3A : i32
    %convert_element_type3A = arith.extui %eq3A_1 : i1 to i32
    %cond3A = arith.constant 0 : i32
    %cond3A_2 = arith.cmpi ne, %convert_element_type3A, %cond3A : i32
    scf.if %cond3A_2 {
      "tpu.region"() ({
        %run_scoped3A = tpu.sem_alloc : memref<!tpu.dma_semaphore, #tpu.memory_space<semaphore_mem>>
        %dma_start3A = arith.constant 0 : i32
        %dma_start3A_600 = tpu.memref_slice %arg8[%dma_start3A] : memref<16xi32, #tpu.memory_space<vmem>> -> memref<1xi32, #tpu.memory_space<vmem>>
        %dma_start3A_601 = arith.constant 0 : i32
        %dma_start3A_602 = tpu.memref_slice %arg8[%dma_start3A_601] : memref<16xi32, #tpu.memory_space<vmem>> -> memref<1xi32, #tpu.memory_space<vmem>>
        tpu.enqueue_dma source(%arg2 : memref<1xi32, #tpu.memory_space<hbm>>) target(%dma_start3A_602 : memref<1xi32, #tpu.memory_space<vmem>>) target_semaphore(%run_scoped3A : memref<!tpu.dma_semaphore, #tpu.memory_space<semaphore_mem>>)
        %dma_wait3A = arith.constant 0 : i32
        %dma_wait3A_603 = tpu.memref_slice %arg8[%dma_wait3A] : memref<16xi32, #tpu.memory_space<vmem>> -> memref<1xi32, #tpu.memory_space<vmem>>
        %dma_wait3A_604 = arith.constant 0 : i32
        %dma_wait3A_605 = tpu.memref_slice %arg8[%dma_wait3A_604] : memref<16xi32, #tpu.memory_space<vmem>> -> memref<1xi32, #tpu.memory_space<vmem>>
        tpu.wait_dma2 semaphore(%run_scoped3A : memref<!tpu.dma_semaphore, #tpu.memory_space<semaphore_mem>>) src(%arg2 : memref<1xi32, #tpu.memory_space<hbm>>) dst(%dma_wait3A_605 : memref<1xi32, #tpu.memory_space<vmem>>)
        tpu.yield
      }) : () -> ()
      "tpu.region"() ({
        %run_scoped3A = tpu.sem_alloc : memref<!tpu.dma_semaphore, #tpu.memory_space<semaphore_mem>>
        %dma_start3A = arith.constant 0 : i32
        %dma_start3A_600 = tpu.memref_slice %arg9[%dma_start3A] : memref<16xf32, #tpu.memory_space<vmem>> -> memref<6xf32, #tpu.memory_space<vmem>>
        %dma_start3A_601 = arith.constant 0 : i32
        %dma_start3A_602 = tpu.memref_slice %arg9[%dma_start3A_601] : memref<16xf32, #tpu.memory_space<vmem>> -> memref<6xf32, #tpu.memory_space<vmem>>
        tpu.enqueue_dma source(%arg3 : memref<6xf32, #tpu.memory_space<hbm>>) target(%dma_start3A_602 : memref<6xf32, #tpu.memory_space<vmem>>) target_semaphore(%run_scoped3A : memref<!tpu.dma_semaphore, #tpu.memory_space<semaphore_mem>>)
        %dma_wait3A = arith.constant 0 : i32
        %dma_wait3A_603 = tpu.memref_slice %arg9[%dma_wait3A] : memref<16xf32, #tpu.memory_space<vmem>> -> memref<6xf32, #tpu.memory_space<vmem>>
        %dma_wait3A_604 = arith.constant 0 : i32
        %dma_wait3A_605 = tpu.memref_slice %arg9[%dma_wait3A_604] : memref<16xf32, #tpu.memory_space<vmem>> -> memref<6xf32, #tpu.memory_space<vmem>>
        tpu.wait_dma2 semaphore(%run_scoped3A : memref<!tpu.dma_semaphore, #tpu.memory_space<semaphore_mem>>) src(%arg3 : memref<6xf32, #tpu.memory_space<hbm>>) dst(%dma_wait3A_605 : memref<6xf32, #tpu.memory_space<vmem>>)
        tpu.yield
      }) : () -> ()
      %get3A = arith.constant 0 : index
      %get3A_3 = tpu.vector_load %arg8[%get3A] {strides = array<i32>} : memref<16xi32, #tpu.memory_space<vmem>>, vector<16xi32>,
      %get3A_4 = vector.shape_cast %get3A_3 : vector<16xi32> to vector<16xi32>
      %slice3A = vector.extract_strided_slice %get3A_4 {offsets = [0], sizes = [1], strides = [1]} : vector<16xi32> to vector<1xi32>
      %squeeze3A = vector.extract %slice3A[0] : i32 from vector<1xi32>
      %jit3A = arith.constant 50 : i32
      %eq3A_5 = arith.constant 0 : i32
      %eq3A_6 = arith.cmpi eq, %jit3A, %eq3A_5 : i32
      %jit3A_7 = arith.constant 1 : i32
      %select_n3A = arith.select %eq3A_6, %jit3A_7, %jit3A : i32
      %rem3A = arith.remsi %squeeze3A, %select_n3A : i32
      %ne3A = arith.constant 0 : i32
      %ne3A_8 = arith.cmpi ne, %rem3A, %ne3A : i32
      %lt3A = arith.constant 0 : i32
      %lt3A_9 = arith.cmpi slt, %rem3A, %lt3A : i32
      %lt3A_10 = arith.constant 0 : i32
      %lt3A_11 = arith.cmpi slt, %select_n3A, %lt3A_10 : i32
      %ne3A_12 = arith.xori %lt3A_9, %lt3A_11 : i1
      %and3A = arith.andi %ne3A_12, %ne3A_8 : i1
      %add3A_13 = arith.addi %rem3A, %select_n3A : i32
      %select_n3A_14 = arith.select %and3A, %add3A_13, %rem3A : i32
      %broadcast_in_dim3A = vector.broadcast %select_n3A_14 : i32 to vector<16xi32>
      %iota3A = tpu.iota {dimensions = array<i32: 0>} : vector<16xi32>
      %broadcast_in_dim3A_15 = arith.constant 0 : i32
      %broadcast_in_dim3A_16 = vector.broadcast %broadcast_in_dim3A_15 : i32 to vector<16xi32>
      %xor3A = arith.constant 466688986 : i32
      %xor3A_17 = vector.broadcast %xor3A : i32 to vector<16xi32>
      %xor3A_18 = arith.xori %broadcast_in_dim3A, %xor3A_17 : vector<16xi32>
      %add3A_19 = arith.addi %iota3A, %broadcast_in_dim3A : vector<16xi32>
      %add3A_20 = arith.addi %broadcast_in_dim3A_16, %add3A_19 : vector<16xi32>
      %shift_left3A = arith.constant 13 : i32
      %shift_left3A_21 = vector.broadcast %shift_left3A : i32 to vector<16xi32>
      %shift_left3A_22 = arith.shli %add3A_19, %shift_left3A_21 : vector<16xi32>
      %shift_right_logical3A = arith.constant 19 : i32
      %shift_right_logical3A_23 = vector.broadcast %shift_right_logical3A : i32 to vector<16xi32>
      %shift_right_logical3A_24 = arith.shrui %add3A_19, %shift_right_logical3A_23 : vector<16xi32>
      %or3A = arith.ori %shift_left3A_22, %shift_right_logical3A_24 : vector<16xi32>
      %xor3A_25 = arith.xori %or3A, %add3A_20 : vector<16xi32>
      %add3A_26 = arith.addi %add3A_20, %xor3A_25 : vector<16xi32>
      %shift_left3A_27 = arith.constant 15 : i32
      %shift_left3A_28 = vector.broadcast %shift_left3A_27 : i32 to vector<16xi32>
      %shift_left3A_29 = arith.shli %xor3A_25, %shift_left3A_28 : vector<16xi32>
      %shift_right_logical3A_30 = arith.constant 17 : i32
      %shift_right_logical3A_31 = vector.broadcast %shift_right_logical3A_30 : i32 to vector<16xi32>
      %shift_right_logical3A_32 = arith.shrui %xor3A_25, %shift_right_logical3A_31 : vector<16xi32>
      %or3A_33 = arith.ori %shift_left3A_29, %shift_right_logical3A_32 : vector<16xi32>
      %xor3A_34 = arith.xori %or3A_33, %add3A_26 : vector<16xi32>
      %add3A_35 = arith.addi %add3A_26, %xor3A_34 : vector<16xi32>
      %shift_left3A_36 = arith.constant 26 : i32
      %shift_left3A_37 = vector.broadcast %shift_left3A_36 : i32 to vector<16xi32>
      %shift_left3A_38 = arith.shli %xor3A_34, %shift_left3A_37 : vector<16xi32>
      %shift_right_logical3A_39 = arith.constant 6 : i32
      %shift_right_logical3A_40 = vector.broadcast %shift_right_logical3A_39 : i32 to vector<16xi32>
      %shift_right_logical3A_41 = arith.shrui %xor3A_34, %shift_right_logical3A_40 : vector<16xi32>
      %or3A_42 = arith.ori %shift_left3A_38, %shift_right_logical3A_41 : vector<16xi32>
      %xor3A_43 = arith.xori %or3A_42, %add3A_35 : vector<16xi32>
      %add3A_44 = arith.addi %add3A_35, %xor3A_43 : vector<16xi32>
      %shift_left3A_45 = arith.constant 6 : i32
      %shift_left3A_46 = vector.broadcast %shift_left3A_45 : i32 to vector<16xi32>
      %shift_left3A_47 = arith.shli %xor3A_43, %shift_left3A_46 : vector<16xi32>
      %shift_right_logical3A_48 = arith.constant 26 : i32
      %shift_right_logical3A_49 = vector.broadcast %shift_right_logical3A_48 : i32 to vector<16xi32>
      %shift_right_logical3A_50 = arith.shrui %xor3A_43, %shift_right_logical3A_49 : vector<16xi32>
      %or3A_51 = arith.ori %shift_left3A_47, %shift_right_logical3A_50 : vector<16xi32>
      %xor3A_52 = arith.xori %or3A_51, %add3A_44 : vector<16xi32>
      %add3A_53 = arith.addi %add3A_44, %broadcast_in_dim3A : vector<16xi32>
      %add3A_54 = arith.addi %xor3A_52, %xor3A_18 : vector<16xi32>
      %add3A_55 = arith.constant 1 : i32
      %add3A_56 = vector.broadcast %add3A_55 : i32 to vector<16xi32>
      %add3A_57 = arith.addi %add3A_54, %add3A_56 : vector<16xi32>
      %add3A_58 = arith.addi %add3A_53, %add3A_57 : vector<16xi32>
      %shift_left3A_59 = arith.constant 17 : i32
      %shift_left3A_60 = vector.broadcast %shift_left3A_59 : i32 to vector<16xi32>
      %shift_left3A_61 = arith.shli %add3A_57, %shift_left3A_60 : vector<16xi32>
      %shift_right_logical3A_62 = arith.constant 15 : i32
      %shift_right_logical3A_63 = vector.broadcast %shift_right_logical3A_62 : i32 to vector<16xi32>
      %shift_right_logical3A_64 = arith.shrui %add3A_57, %shift_right_logical3A_63 : vector<16xi32>
      %or3A_65 = arith.ori %shift_left3A_61, %shift_right_logical3A_64 : vector<16xi32>
      %xor3A_66 = arith.xori %or3A_65, %add3A_58 : vector<16xi32>
      %add3A_67 = arith.addi %add3A_58, %xor3A_66 : vector<16xi32>
      %shift_left3A_68 = arith.constant 29 : i32
      %shift_left3A_69 = vector.broadcast %shift_left3A_68 : i32 to vector<16xi32>
      %shift_left3A_70 = arith.shli %xor3A_66, %shift_left3A_69 : vector<16xi32>
      %shift_right_logical3A_71 = arith.constant 3 : i32
      %shift_right_logical3A_72 = vector.broadcast %shift_right_logical3A_71 : i32 to vector<16xi32>
      %shift_right_logical3A_73 = arith.shrui %xor3A_66, %shift_right_logical3A_72 : vector<16xi32>
      %or3A_74 = arith.ori %shift_left3A_70, %shift_right_logical3A_73 : vector<16xi32>
      %xor3A_75 = arith.xori %or3A_74, %add3A_67 : vector<16xi32>
      %add3A_76 = arith.addi %add3A_67, %xor3A_75 : vector<16xi32>
      %shift_left3A_77 = arith.constant 16 : i32
      %shift_left3A_78 = vector.broadcast %shift_left3A_77 : i32 to vector<16xi32>
      %shift_left3A_79 = arith.shli %xor3A_75, %shift_left3A_78 : vector<16xi32>
      %shift_right_logical3A_80 = arith.constant 16 : i32
      %shift_right_logical3A_81 = vector.broadcast %shift_right_logical3A_80 : i32 to vector<16xi32>
      %shift_right_logical3A_82 = arith.shrui %xor3A_75, %shift_right_logical3A_81 : vector<16xi32>
      %or3A_83 = arith.ori %shift_left3A_79, %shift_right_logical3A_82 : vector<16xi32>
      %xor3A_84 = arith.xori %or3A_83, %add3A_76 : vector<16xi32>
      %add3A_85 = arith.addi %add3A_76, %xor3A_84 : vector<16xi32>
      %shift_left3A_86 = arith.constant 24 : i32
      %shift_left3A_87 = vector.broadcast %shift_left3A_86 : i32 to vector<16xi32>
      %shift_left3A_88 = arith.shli %xor3A_84, %shift_left3A_87 : vector<16xi32>
      %shift_right_logical3A_89 = arith.constant 8 : i32
      %shift_right_logical3A_90 = vector.broadcast %shift_right_logical3A_89 : i32 to vector<16xi32>
      %shift_right_logical3A_91 = arith.shrui %xor3A_84, %shift_right_logical3A_90 : vector<16xi32>
      %or3A_92 = arith.ori %shift_left3A_88, %shift_right_logical3A_91 : vector<16xi32>
      %xor3A_93 = arith.xori %or3A_92, %add3A_85 : vector<16xi32>
      %add3A_94 = arith.addi %add3A_85, %xor3A_18 : vector<16xi32>
      %add3A_95 = arith.addi %xor3A_93, %broadcast_in_dim3A_16 : vector<16xi32>
      %add3A_96 = arith.constant 2 : i32
      %add3A_97 = vector.broadcast %add3A_96 : i32 to vector<16xi32>
      %add3A_98 = arith.addi %add3A_95, %add3A_97 : vector<16xi32>
      %add3A_99 = arith.addi %add3A_94, %add3A_98 : vector<16xi32>
      %shift_left3A_100 = arith.constant 13 : i32
      %shift_left3A_101 = vector.broadcast %shift_left3A_100 : i32 to vector<16xi32>
      %shift_left3A_102 = arith.shli %add3A_98, %shift_left3A_101 : vector<16xi32>
      %shift_right_logical3A_103 = arith.constant 19 : i32
      %shift_right_logical3A_104 = vector.broadcast %shift_right_logical3A_103 : i32 to vector<16xi32>
      %shift_right_logical3A_105 = arith.shrui %add3A_98, %shift_right_logical3A_104 : vector<16xi32>
      %or3A_106 = arith.ori %shift_left3A_102, %shift_right_logical3A_105 : vector<16xi32>
      %xor3A_107 = arith.xori %or3A_106, %add3A_99 : vector<16xi32>
      %add3A_108 = arith.addi %add3A_99, %xor3A_107 : vector<16xi32>
      %shift_left3A_109 = arith.constant 15 : i32
      %shift_left3A_110 = vector.broadcast %shift_left3A_109 : i32 to vector<16xi32>
      %shift_left3A_111 = arith.shli %xor3A_107, %shift_left3A_110 : vector<16xi32>
      %shift_right_logical3A_112 = arith.constant 17 : i32
      %shift_right_logical3A_113 = vector.broadcast %shift_right_logical3A_112 : i32 to vector<16xi32>
      %shift_right_logical3A_114 = arith.shrui %xor3A_107, %shift_right_logical3A_113 : vector<16xi32>
      %or3A_115 = arith.ori %shift_left3A_111, %shift_right_logical3A_114 : vector<16xi32>
      %xor3A_116 = arith.xori %or3A_115, %add3A_108 : vector<16xi32>
      %add3A_117 = arith.addi %add3A_108, %xor3A_116 : vector<16xi32>
      %shift_left3A_118 = arith.constant 26 : i32
      %shift_left3A_119 = vector.broadcast %shift_left3A_118 : i32 to vector<16xi32>
      %shift_left3A_120 = arith.shli %xor3A_116, %shift_left3A_119 : vector<16xi32>
      %shift_right_logical3A_121 = arith.constant 6 : i32
      %shift_right_logical3A_122 = vector.broadcast %shift_right_logical3A_121 : i32 to vector<16xi32>
      %shift_right_logical3A_123 = arith.shrui %xor3A_116, %shift_right_logical3A_122 : vector<16xi32>
      %or3A_124 = arith.ori %shift_left3A_120, %shift_right_logical3A_123 : vector<16xi32>
      %xor3A_125 = arith.xori %or3A_124, %add3A_117 : vector<16xi32>
      %add3A_126 = arith.addi %add3A_117, %xor3A_125 : vector<16xi32>
      %shift_left3A_127 = arith.constant 6 : i32
      %shift_left3A_128 = vector.broadcast %shift_left3A_127 : i32 to vector<16xi32>
      %shift_left3A_129 = arith.shli %xor3A_125, %shift_left3A_128 : vector<16xi32>
      %shift_right_logical3A_130 = arith.constant 26 : i32
      %shift_right_logical3A_131 = vector.broadcast %shift_right_logical3A_130 : i32 to vector<16xi32>
      %shift_right_logical3A_132 = arith.shrui %xor3A_125, %shift_right_logical3A_131 : vector<16xi32>
      %or3A_133 = arith.ori %shift_left3A_129, %shift_right_logical3A_132 : vector<16xi32>
      %xor3A_134 = arith.xori %or3A_133, %add3A_126 : vector<16xi32>
      %add3A_135 = arith.addi %add3A_126, %broadcast_in_dim3A_16 : vector<16xi32>
      %add3A_136 = arith.addi %xor3A_134, %broadcast_in_dim3A : vector<16xi32>
      %add3A_137 = arith.constant 3 : i32
      %add3A_138 = vector.broadcast %add3A_137 : i32 to vector<16xi32>
      %add3A_139 = arith.addi %add3A_136, %add3A_138 : vector<16xi32>
      %add3A_140 = arith.addi %add3A_135, %add3A_139 : vector<16xi32>
      %shift_left3A_141 = arith.constant 17 : i32
      %shift_left3A_142 = vector.broadcast %shift_left3A_141 : i32 to vector<16xi32>
      %shift_left3A_143 = arith.shli %add3A_139, %shift_left3A_142 : vector<16xi32>
      %shift_right_logical3A_144 = arith.constant 15 : i32
      %shift_right_logical3A_145 = vector.broadcast %shift_right_logical3A_144 : i32 to vector<16xi32>
      %shift_right_logical3A_146 = arith.shrui %add3A_139, %shift_right_logical3A_145 : vector<16xi32>
      %or3A_147 = arith.ori %shift_left3A_143, %shift_right_logical3A_146 : vector<16xi32>
      %xor3A_148 = arith.xori %or3A_147, %add3A_140 : vector<16xi32>
      %add3A_149 = arith.addi %add3A_140, %xor3A_148 : vector<16xi32>
      %shift_left3A_150 = arith.constant 29 : i32
      %shift_left3A_151 = vector.broadcast %shift_left3A_150 : i32 to vector<16xi32>
      %shift_left3A_152 = arith.shli %xor3A_148, %shift_left3A_151 : vector<16xi32>
      %shift_right_logical3A_153 = arith.constant 3 : i32
      %shift_right_logical3A_154 = vector.broadcast %shift_right_logical3A_153 : i32 to vector<16xi32>
      %shift_right_logical3A_155 = arith.shrui %xor3A_148, %shift_right_logical3A_154 : vector<16xi32>
      %or3A_156 = arith.ori %shift_left3A_152, %shift_right_logical3A_155 : vector<16xi32>
      %xor3A_157 = arith.xori %or3A_156, %add3A_149 : vector<16xi32>
      %add3A_158 = arith.addi %add3A_149, %xor3A_157 : vector<16xi32>
      %shift_left3A_159 = arith.constant 16 : i32
      %shift_left3A_160 = vector.broadcast %shift_left3A_159 : i32 to vector<16xi32>
      %shift_left3A_161 = arith.shli %xor3A_157, %shift_left3A_160 : vector<16xi32>
      %shift_right_logical3A_162 = arith.constant 16 : i32
      %shift_right_logical3A_163 = vector.broadcast %shift_right_logical3A_162 : i32 to vector<16xi32>
      %shift_right_logical3A_164 = arith.shrui %xor3A_157, %shift_right_logical3A_163 : vector<16xi32>
      %or3A_165 = arith.ori %shift_left3A_161, %shift_right_logical3A_164 : vector<16xi32>
      %xor3A_166 = arith.xori %or3A_165, %add3A_158 : vector<16xi32>
      %add3A_167 = arith.addi %add3A_158, %xor3A_166 : vector<16xi32>
      %shift_left3A_168 = arith.constant 24 : i32
      %shift_left3A_169 = vector.broadcast %shift_left3A_168 : i32 to vector<16xi32>
      %shift_left3A_170 = arith.shli %xor3A_166, %shift_left3A_169 : vector<16xi32>
      %shift_right_logical3A_171 = arith.constant 8 : i32
      %shift_right_logical3A_172 = vector.broadcast %shift_right_logical3A_171 : i32 to vector<16xi32>
      %shift_right_logical3A_173 = arith.shrui %xor3A_166, %shift_right_logical3A_172 : vector<16xi32>
      %or3A_174 = arith.ori %shift_left3A_170, %shift_right_logical3A_173 : vector<16xi32>
      %xor3A_175 = arith.xori %or3A_174, %add3A_167 : vector<16xi32>
      %add3A_176 = arith.addi %add3A_167, %broadcast_in_dim3A : vector<16xi32>
      %add3A_177 = arith.addi %xor3A_175, %xor3A_18 : vector<16xi32>
      %add3A_178 = arith.constant 4 : i32
      %add3A_179 = vector.broadcast %add3A_178 : i32 to vector<16xi32>
      %add3A_180 = arith.addi %add3A_177, %add3A_179 : vector<16xi32>
      %add3A_181 = arith.addi %add3A_176, %add3A_180 : vector<16xi32>
      %shift_left3A_182 = arith.constant 13 : i32
      %shift_left3A_183 = vector.broadcast %shift_left3A_182 : i32 to vector<16xi32>
      %shift_left3A_184 = arith.shli %add3A_180, %shift_left3A_183 : vector<16xi32>
      %shift_right_logical3A_185 = arith.constant 19 : i32
      %shift_right_logical3A_186 = vector.broadcast %shift_right_logical3A_185 : i32 to vector<16xi32>
      %shift_right_logical3A_187 = arith.shrui %add3A_180, %shift_right_logical3A_186 : vector<16xi32>
      %or3A_188 = arith.ori %shift_left3A_184, %shift_right_logical3A_187 : vector<16xi32>
      %xor3A_189 = arith.xori %or3A_188, %add3A_181 : vector<16xi32>
      %add3A_190 = arith.addi %add3A_181, %xor3A_189 : vector<16xi32>
      %shift_left3A_191 = arith.constant 15 : i32
      %shift_left3A_192 = vector.broadcast %shift_left3A_191 : i32 to vector<16xi32>
      %shift_left3A_193 = arith.shli %xor3A_189, %shift_left3A_192 : vector<16xi32>
      %shift_right_logical3A_194 = arith.constant 17 : i32
      %shift_right_logical3A_195 = vector.broadcast %shift_right_logical3A_194 : i32 to vector<16xi32>
      %shift_right_logical3A_196 = arith.shrui %xor3A_189, %shift_right_logical3A_195 : vector<16xi32>
      %or3A_197 = arith.ori %shift_left3A_193, %shift_right_logical3A_196 : vector<16xi32>
      %xor3A_198 = arith.xori %or3A_197, %add3A_190 : vector<16xi32>
      %add3A_199 = arith.addi %add3A_190, %xor3A_198 : vector<16xi32>
      %shift_left3A_200 = arith.constant 26 : i32
      %shift_left3A_201 = vector.broadcast %shift_left3A_200 : i32 to vector<16xi32>
      %shift_left3A_202 = arith.shli %xor3A_198, %shift_left3A_201 : vector<16xi32>
      %shift_right_logical3A_203 = arith.constant 6 : i32
      %shift_right_logical3A_204 = vector.broadcast %shift_right_logical3A_203 : i32 to vector<16xi32>
      %shift_right_logical3A_205 = arith.shrui %xor3A_198, %shift_right_logical3A_204 : vector<16xi32>
      %or3A_206 = arith.ori %shift_left3A_202, %shift_right_logical3A_205 : vector<16xi32>
      %xor3A_207 = arith.xori %or3A_206, %add3A_199 : vector<16xi32>
      %add3A_208 = arith.addi %add3A_199, %xor3A_207 : vector<16xi32>
      %shift_left3A_209 = arith.constant 6 : i32
      %shift_left3A_210 = vector.broadcast %shift_left3A_209 : i32 to vector<16xi32>
      %shift_left3A_211 = arith.shli %xor3A_207, %shift_left3A_210 : vector<16xi32>
      %shift_right_logical3A_212 = arith.constant 26 : i32
      %shift_right_logical3A_213 = vector.broadcast %shift_right_logical3A_212 : i32 to vector<16xi32>
      %shift_right_logical3A_214 = arith.shrui %xor3A_207, %shift_right_logical3A_213 : vector<16xi32>
      %or3A_215 = arith.ori %shift_left3A_211, %shift_right_logical3A_214 : vector<16xi32>
      %xor3A_216 = arith.xori %or3A_215, %add3A_208 : vector<16xi32>
      %add3A_217 = arith.addi %add3A_208, %xor3A_18 : vector<16xi32>
      %add3A_218 = arith.addi %xor3A_216, %broadcast_in_dim3A_16 : vector<16xi32>
      %add3A_219 = arith.constant 5 : i32
      %add3A_220 = vector.broadcast %add3A_219 : i32 to vector<16xi32>
      %add3A_221 = arith.addi %add3A_218, %add3A_220 : vector<16xi32>
      %xor3A_222 = arith.xori %add3A_217, %add3A_221 : vector<16xi32>
      %shift_right_logical3A_223 = arith.constant 9 : i32
      %shift_right_logical3A_224 = vector.broadcast %shift_right_logical3A_223 : i32 to vector<16xi32>
      %shift_right_logical3A_225 = arith.shrui %xor3A_222, %shift_right_logical3A_224 : vector<16xi32>
      %or3A_226 = arith.constant 1065353216 : i32
      %or3A_227 = vector.broadcast %or3A_226 : i32 to vector<16xi32>
      %or3A_228 = arith.ori %shift_right_logical3A_225, %or3A_227 : vector<16xi32>
      %bitcast_convert_type3A = tpu.bitcast %or3A_228 : vector<16xi32> -> vector<16xf32>
      %sub3A = arith.constant 1.000000e+00 : f32
      %sub3A_229 = vector.broadcast %sub3A : f32 to vector<16xf32>
      %sub3A_230 = arith.subf %bitcast_convert_type3A, %sub3A_229 : vector<16xf32>
      %add3A_231 = arith.constant 1.000000e-10 : f32
      %add3A_232 = vector.broadcast %add3A_231 : f32 to vector<16xf32>
      %add3A_233 = arith.addf %sub3A_230, %add3A_232 : vector<16xf32>
      %max3A = arith.constant 1.000000e-10 : f32
      %max3A_234 = vector.broadcast %max3A : f32 to vector<16xf32>
      %max3A_235 = arith.maximumf %max3A_234, %add3A_233 : vector<16xf32>
      %bitcast_convert_type3A_236 = tpu.bitcast %max3A_235 : vector<16xf32> -> vector<16xi32>
      %shift_right_arithmetic3A = arith.constant 23 : i32
      %shift_right_arithmetic3A_237 = vector.broadcast %shift_right_arithmetic3A : i32 to vector<16xi32>
      %shift_right_arithmetic3A_238 = arith.shrsi %bitcast_convert_type3A_236, %shift_right_arithmetic3A_237 : vector<16xi32>
      %sub3A_239 = arith.constant 127 : i32
      %sub3A_240 = vector.broadcast %sub3A_239 : i32 to vector<16xi32>
      %sub3A_241 = arith.subi %shift_right_arithmetic3A_238, %sub3A_240 : vector<16xi32>
      %and3A_242 = arith.constant 8388607 : i32
      %and3A_243 = vector.broadcast %and3A_242 : i32 to vector<16xi32>
      %and3A_244 = arith.andi %bitcast_convert_type3A_236, %and3A_243 : vector<16xi32>
      %or3A_245 = arith.constant 1065353216 : i32
      %or3A_246 = vector.broadcast %or3A_245 : i32 to vector<16xi32>
      %or3A_247 = arith.ori %and3A_244, %or3A_246 : vector<16xi32>
      %bitcast_convert_type3A_248 = tpu.bitcast %or3A_247 : vector<16xi32> -> vector<16xf32>
      %ge3A = arith.constant 1.500000e+00 : f32
      %ge3A_249 = vector.broadcast %ge3A : f32 to vector<16xf32>
      %ge3A_250 = arith.cmpf oge, %bitcast_convert_type3A_248, %ge3A_249 : vector<16xf32>
      %mul3A_251 = arith.constant 5.000000e-01 : f32
      %mul3A_252 = vector.broadcast %mul3A_251 : f32 to vector<16xf32>
      %mul3A_253 = arith.mulf %bitcast_convert_type3A_248, %mul3A_252 : vector<16xf32>
      %select_n3A_254 = arith.select %ge3A_250, %mul3A_253, %bitcast_convert_type3A_248 : vector<16xi1>, vector<16xf32>
      %add3A_255 = arith.constant 1 : i32
      %add3A_256 = vector.broadcast %add3A_255 : i32 to vector<16xi32>
      %add3A_257 = arith.addi %sub3A_241, %add3A_256 : vector<16xi32>
      %select_n3A_258 = arith.select %ge3A_250, %add3A_257, %sub3A_241 : vector<16xi1>, vector<16xi32>
      %convert_element_type3A_259 = arith.sitofp %select_n3A_258 : vector<16xi32> to vector<16xf32>
      %sub3A_260 = arith.constant 1.000000e+00 : f32
      %sub3A_261 = vector.broadcast %sub3A_260 : f32 to vector<16xf32>
      %sub3A_262 = arith.subf %select_n3A_254, %sub3A_261 : vector<16xf32>
      %add3A_263 = arith.constant 1.000000e+00 : f32
      %add3A_264 = vector.broadcast %add3A_263 : f32 to vector<16xf32>
      %add3A_265 = arith.addf %select_n3A_254, %add3A_264 : vector<16xf32>
      %div3A = arith.divf %sub3A_262, %add3A_265 : vector<16xf32>
      %mul3A_266 = arith.mulf %div3A, %div3A : vector<16xf32>
      %broadcast_in_dim3A_267 = arith.constant 0.0666666701 : f32
      %broadcast_in_dim3A_268 = vector.broadcast %broadcast_in_dim3A_267 : f32 to vector<16xf32>
      %mul3A_269 = arith.mulf %broadcast_in_dim3A_268, %mul3A_266 : vector<16xf32>
      %add3A_270 = arith.constant 0.0769230798 : f32
      %add3A_271 = vector.broadcast %add3A_270 : f32 to vector<16xf32>
      %add3A_272 = arith.addf %mul3A_269, %add3A_271 : vector<16xf32>
      %mul3A_273 = arith.mulf %add3A_272, %mul3A_266 : vector<16xf32>
      %add3A_274 = arith.constant 0.0909090936 : f32
      %add3A_275 = vector.broadcast %add3A_274 : f32 to vector<16xf32>
      %add3A_276 = arith.addf %mul3A_273, %add3A_275 : vector<16xf32>
      %mul3A_277 = arith.mulf %add3A_276, %mul3A_266 : vector<16xf32>
      %add3A_278 = arith.constant 0.111111112 : f32
      %add3A_279 = vector.broadcast %add3A_278 : f32 to vector<16xf32>
      %add3A_280 = arith.addf %mul3A_277, %add3A_279 : vector<16xf32>
      %mul3A_281 = arith.mulf %add3A_280, %mul3A_266 : vector<16xf32>
      %add3A_282 = arith.constant 0.142857149 : f32
      %add3A_283 = vector.broadcast %add3A_282 : f32 to vector<16xf32>
      %add3A_284 = arith.addf %mul3A_281, %add3A_283 : vector<16xf32>
      %mul3A_285 = arith.mulf %add3A_284, %mul3A_266 : vector<16xf32>
      %add3A_286 = arith.constant 2.000000e-01 : f32
      %add3A_287 = vector.broadcast %add3A_286 : f32 to vector<16xf32>
      %add3A_288 = arith.addf %mul3A_285, %add3A_287 : vector<16xf32>
      %mul3A_289 = arith.mulf %add3A_288, %mul3A_266 : vector<16xf32>
      %add3A_290 = arith.constant 0.333333343 : f32
      %add3A_291 = vector.broadcast %add3A_290 : f32 to vector<16xf32>
      %add3A_292 = arith.addf %mul3A_289, %add3A_291 : vector<16xf32>
      %mul3A_293 = arith.mulf %mul3A_266, %add3A_292 : vector<16xf32>
      %mul3A_294 = arith.constant 2.000000e+00 : f32
      %mul3A_295 = vector.broadcast %mul3A_294 : f32 to vector<16xf32>
      %mul3A_296 = arith.mulf %mul3A_293, %mul3A_295 : vector<16xf32>
      %mul3A_297 = arith.mulf %div3A, %mul3A_296 : vector<16xf32>
      %add3A_298 = arith.addf %mul3A_297, %div3A : vector<16xf32>
      %add3A_299 = arith.addf %add3A_298, %div3A : vector<16xf32>
      %mul3A_300 = arith.constant -2.12194442E-4 : f32
      %mul3A_301 = vector.broadcast %mul3A_300 : f32 to vector<16xf32>
      %mul3A_302 = arith.mulf %convert_element_type3A_259, %mul3A_301 : vector<16xf32>
      %add3A_303 = arith.addf %mul3A_302, %add3A_299 : vector<16xf32>
      %mul3A_304 = arith.constant 0.693359375 : f32
      %mul3A_305 = vector.broadcast %mul3A_304 : f32 to vector<16xf32>
      %mul3A_306 = arith.mulf %convert_element_type3A_259, %mul3A_305 : vector<16xf32>
      %add3A_307 = arith.addf %add3A_303, %mul3A_306 : vector<16xf32>
      %neg3A = arith.constant 0.000000e+00 : f32
      %neg3A_308 = vector.broadcast %neg3A : f32 to vector<16xf32>
      %neg3A_309 = arith.subf %neg3A_308, %add3A_307 : vector<16xf32>
      %bitcast_convert_type3A_310 = tpu.bitcast %neg3A_309 : vector<16xf32> -> vector<16xi32>
      %shift_right_arithmetic3A_311 = arith.constant 23 : i32
      %shift_right_arithmetic3A_312 = vector.broadcast %shift_right_arithmetic3A_311 : i32 to vector<16xi32>
      %shift_right_arithmetic3A_313 = arith.shrsi %bitcast_convert_type3A_310, %shift_right_arithmetic3A_312 : vector<16xi32>
      %sub3A_314 = arith.constant 127 : i32
      %sub3A_315 = vector.broadcast %sub3A_314 : i32 to vector<16xi32>
      %sub3A_316 = arith.subi %shift_right_arithmetic3A_313, %sub3A_315 : vector<16xi32>
      %and3A_317 = arith.constant 8388607 : i32
      %and3A_318 = vector.broadcast %and3A_317 : i32 to vector<16xi32>
      %and3A_319 = arith.andi %bitcast_convert_type3A_310, %and3A_318 : vector<16xi32>
      %or3A_320 = arith.constant 1065353216 : i32
      %or3A_321 = vector.broadcast %or3A_320 : i32 to vector<16xi32>
      %or3A_322 = arith.ori %and3A_319, %or3A_321 : vector<16xi32>
      %bitcast_convert_type3A_323 = tpu.bitcast %or3A_322 : vector<16xi32> -> vector<16xf32>
      %ge3A_324 = arith.constant 1.500000e+00 : f32
      %ge3A_325 = vector.broadcast %ge3A_324 : f32 to vector<16xf32>
      %ge3A_326 = arith.cmpf oge, %bitcast_convert_type3A_323, %ge3A_325 : vector<16xf32>
      %mul3A_327 = arith.constant 5.000000e-01 : f32
      %mul3A_328 = vector.broadcast %mul3A_327 : f32 to vector<16xf32>
      %mul3A_329 = arith.mulf %bitcast_convert_type3A_323, %mul3A_328 : vector<16xf32>
      %select_n3A_330 = arith.select %ge3A_326, %mul3A_329, %bitcast_convert_type3A_323 : vector<16xi1>, vector<16xf32>
      %add3A_331 = arith.constant 1 : i32
      %add3A_332 = vector.broadcast %add3A_331 : i32 to vector<16xi32>
      %add3A_333 = arith.addi %sub3A_316, %add3A_332 : vector<16xi32>
      %select_n3A_334 = arith.select %ge3A_326, %add3A_333, %sub3A_316 : vector<16xi1>, vector<16xi32>
      %convert_element_type3A_335 = arith.sitofp %select_n3A_334 : vector<16xi32> to vector<16xf32>
      %sub3A_336 = arith.constant 1.000000e+00 : f32
      %sub3A_337 = vector.broadcast %sub3A_336 : f32 to vector<16xf32>
      %sub3A_338 = arith.subf %select_n3A_330, %sub3A_337 : vector<16xf32>
      %add3A_339 = arith.constant 1.000000e+00 : f32
      %add3A_340 = vector.broadcast %add3A_339 : f32 to vector<16xf32>
      %add3A_341 = arith.addf %select_n3A_330, %add3A_340 : vector<16xf32>
      %div3A_342 = arith.divf %sub3A_338, %add3A_341 : vector<16xf32>
      %mul3A_343 = arith.mulf %div3A_342, %div3A_342 : vector<16xf32>
      %broadcast_in_dim3A_344 = arith.constant 0.0666666701 : f32
      %broadcast_in_dim3A_345 = vector.broadcast %broadcast_in_dim3A_344 : f32 to vector<16xf32>
      %mul3A_346 = arith.mulf %broadcast_in_dim3A_345, %mul3A_343 : vector<16xf32>
      %add3A_347 = arith.constant 0.0769230798 : f32
      %add3A_348 = vector.broadcast %add3A_347 : f32 to vector<16xf32>
      %add3A_349 = arith.addf %mul3A_346, %add3A_348 : vector<16xf32>
      %mul3A_350 = arith.mulf %add3A_349, %mul3A_343 : vector<16xf32>
      %add3A_351 = arith.constant 0.0909090936 : f32
      %add3A_352 = vector.broadcast %add3A_351 : f32 to vector<16xf32>
      %add3A_353 = arith.addf %mul3A_350, %add3A_352 : vector<16xf32>
      %mul3A_354 = arith.mulf %add3A_353, %mul3A_343 : vector<16xf32>
      %add3A_355 = arith.constant 0.111111112 : f32
      %add3A_356 = vector.broadcast %add3A_355 : f32 to vector<16xf32>
      %add3A_357 = arith.addf %mul3A_354, %add3A_356 : vector<16xf32>
      %mul3A_358 = arith.mulf %add3A_357, %mul3A_343 : vector<16xf32>
      %add3A_359 = arith.constant 0.142857149 : f32
      %add3A_360 = vector.broadcast %add3A_359 : f32 to vector<16xf32>
      %add3A_361 = arith.addf %mul3A_358, %add3A_360 : vector<16xf32>
      %mul3A_362 = arith.mulf %add3A_361, %mul3A_343 : vector<16xf32>
      %add3A_363 = arith.constant 2.000000e-01 : f32
      %add3A_364 = vector.broadcast %add3A_363 : f32 to vector<16xf32>
      %add3A_365 = arith.addf %mul3A_362, %add3A_364 : vector<16xf32>
      %mul3A_366 = arith.mulf %add3A_365, %mul3A_343 : vector<16xf32>
      %add3A_367 = arith.constant 0.333333343 : f32
      %add3A_368 = vector.broadcast %add3A_367 : f32 to vector<16xf32>
      %add3A_369 = arith.addf %mul3A_366, %add3A_368 : vector<16xf32>
      %mul3A_370 = arith.mulf %mul3A_343, %add3A_369 : vector<16xf32>
      %mul3A_371 = arith.constant 2.000000e+00 : f32
      %mul3A_372 = vector.broadcast %mul3A_371 : f32 to vector<16xf32>
      %mul3A_373 = arith.mulf %mul3A_370, %mul3A_372 : vector<16xf32>
      %mul3A_374 = arith.mulf %div3A_342, %mul3A_373 : vector<16xf32>
      %add3A_375 = arith.addf %mul3A_374, %div3A_342 : vector<16xf32>
      %add3A_376 = arith.addf %add3A_375, %div3A_342 : vector<16xf32>
      %mul3A_377 = arith.constant -2.12194442E-4 : f32
      %mul3A_378 = vector.broadcast %mul3A_377 : f32 to vector<16xf32>
      %mul3A_379 = arith.mulf %convert_element_type3A_335, %mul3A_378 : vector<16xf32>
      %add3A_380 = arith.addf %mul3A_379, %add3A_376 : vector<16xf32>
      %mul3A_381 = arith.constant 0.693359375 : f32
      %mul3A_382 = vector.broadcast %mul3A_381 : f32 to vector<16xf32>
      %mul3A_383 = arith.mulf %convert_element_type3A_335, %mul3A_382 : vector<16xf32>
      %add3A_384 = arith.addf %add3A_380, %mul3A_383 : vector<16xf32>
      %neg3A_385 = arith.constant 0.000000e+00 : f32
      %neg3A_386 = vector.broadcast %neg3A_385 : f32 to vector<16xf32>
      %neg3A_387 = arith.subf %neg3A_386, %add3A_384 : vector<16xf32>
      %get3A_388 = arith.constant 0 : index
      %get3A_389 = tpu.vector_load %arg9[%get3A_388] {strides = array<i32>} : memref<16xf32, #tpu.memory_space<vmem>>, vector<16xf32>,
      %get3A_390 = vector.shape_cast %get3A_389 : vector<16xf32> to vector<16xf32>
      %add3A_391 = arith.addf %get3A_390, %neg3A_387 : vector<16xf32>
      %slice3A_392 = vector.extract_strided_slice %add3A_391 {offsets = [0], sizes = [1], strides = [1]} : vector<16xf32> to vector<1xf32>
      %squeeze3A_393 = vector.extract %slice3A_392[0] : f32 from vector<1xf32>
      %slice3A_394 = vector.extract_strided_slice %add3A_391 {offsets = [1], sizes = [1], strides = [1]} : vector<16xf32> to vector<1xf32>
      %squeeze3A_395 = vector.extract %slice3A_394[0] : f32 from vector<1xf32>
      %slice3A_396 = vector.extract_strided_slice %add3A_391 {offsets = [2], sizes = [1], strides = [1]} : vector<16xf32> to vector<1xf32>
      %squeeze3A_397 = vector.extract %slice3A_396[0] : f32 from vector<1xf32>
      %slice3A_398 = vector.extract_strided_slice %add3A_391 {offsets = [3], sizes = [1], strides = [1]} : vector<16xf32> to vector<1xf32>
      %squeeze3A_399 = vector.extract %slice3A_398[0] : f32 from vector<1xf32>
      %slice3A_400 = vector.extract_strided_slice %add3A_391 {offsets = [4], sizes = [1], strides = [1]} : vector<16xf32> to vector<1xf32>
      %squeeze3A_401 = vector.extract %slice3A_400[0] : f32 from vector<1xf32>
      %slice3A_402 = vector.extract_strided_slice %add3A_391 {offsets = [5], sizes = [1], strides = [1]} : vector<16xf32> to vector<1xf32>
      %squeeze3A_403 = vector.extract %slice3A_402[0] : f32 from vector<1xf32>
      %slice3A_404 = vector.extract_strided_slice %get3A_390 {offsets = [0], sizes = [1], strides = [1]} : vector<16xf32> to vector<1xf32>
      %squeeze3A_405 = vector.extract %slice3A_404[0] : f32 from vector<1xf32>
      %slice3A_406 = vector.extract_strided_slice %get3A_390 {offsets = [1], sizes = [1], strides = [1]} : vector<16xf32> to vector<1xf32>
      %squeeze3A_407 = vector.extract %slice3A_406[0] : f32 from vector<1xf32>
      %slice3A_408 = vector.extract_strided_slice %get3A_390 {offsets = [2], sizes = [1], strides = [1]} : vector<16xf32> to vector<1xf32>
      %squeeze3A_409 = vector.extract %slice3A_408[0] : f32 from vector<1xf32>
      %slice3A_410 = vector.extract_strided_slice %get3A_390 {offsets = [3], sizes = [1], strides = [1]} : vector<16xf32> to vector<1xf32>
      %squeeze3A_411 = vector.extract %slice3A_410[0] : f32 from vector<1xf32>
      %slice3A_412 = vector.extract_strided_slice %get3A_390 {offsets = [4], sizes = [1], strides = [1]} : vector<16xf32> to vector<1xf32>
      %squeeze3A_413 = vector.extract %slice3A_412[0] : f32 from vector<1xf32>
      %slice3A_414 = vector.extract_strided_slice %get3A_390 {offsets = [5], sizes = [1], strides = [1]} : vector<16xf32> to vector<1xf32>
      %squeeze3A_415 = vector.extract %slice3A_414[0] : f32 from vector<1xf32>
      %gt3A = arith.constant 0xFF800000 : f32
      %gt3A_416 = arith.cmpf ogt, %squeeze3A_393, %gt3A : f32
      %jit3A_417 = arith.constant 0xFF800000 : f32
      %select_n3A_418 = arith.select %gt3A_416, %squeeze3A_393, %jit3A_417 : f32
      %jit3A_419 = arith.constant 0 : i32
      %jit3A_420 = arith.constant 0 : i32
      %select_n3A_421 = arith.select %gt3A_416, %jit3A_419, %jit3A_420 : i32
      %gt3A_422 = arith.cmpf ogt, %squeeze3A_395, %select_n3A_418 : f32
      %select_n3A_423 = arith.select %gt3A_422, %squeeze3A_395, %select_n3A_418 : f32
      %jit3A_424 = arith.constant 1 : i32
      %select_n3A_425 = arith.select %gt3A_422, %jit3A_424, %select_n3A_421 : i32
      %gt3A_426 = arith.cmpf ogt, %squeeze3A_397, %select_n3A_423 : f32
      %select_n3A_427 = arith.select %gt3A_426, %squeeze3A_397, %select_n3A_423 : f32
      %jit3A_428 = arith.constant 2 : i32
      %select_n3A_429 = arith.select %gt3A_426, %jit3A_428, %select_n3A_425 : i32
      %gt3A_430 = arith.cmpf ogt, %squeeze3A_399, %select_n3A_427 : f32
      %select_n3A_431 = arith.select %gt3A_430, %squeeze3A_399, %select_n3A_427 : f32
      %jit3A_432 = arith.constant 3 : i32
      %select_n3A_433 = arith.select %gt3A_430, %jit3A_432, %select_n3A_429 : i32
      %gt3A_434 = arith.cmpf ogt, %squeeze3A_401, %select_n3A_431 : f32
      %select_n3A_435 = arith.select %gt3A_434, %squeeze3A_401, %select_n3A_431 : f32
      %jit3A_436 = arith.constant 4 : i32
      %select_n3A_437 = arith.select %gt3A_434, %jit3A_436, %select_n3A_433 : i32
      %gt3A_438 = arith.cmpf ogt, %squeeze3A_403, %select_n3A_435 : f32
      %select_n3A_439 = arith.select %gt3A_438, %squeeze3A_403, %select_n3A_435 : f32
      %jit3A_440 = arith.constant 5 : i32
      %select_n3A_441 = arith.select %gt3A_438, %jit3A_440, %select_n3A_437 : i32
      %gt3A_442 = arith.constant 0xFF800000 : f32
      %gt3A_443 = arith.cmpf ogt, %squeeze3A_405, %gt3A_442 : f32
      %jit3A_444 = arith.constant 0xFF800000 : f32
      %select_n3A_445 = arith.select %gt3A_443, %squeeze3A_405, %jit3A_444 : f32
      %jit3A_446 = arith.constant 0 : i32
      %jit3A_447 = arith.constant 0 : i32
      %select_n3A_448 = arith.select %gt3A_443, %jit3A_446, %jit3A_447 : i32
      %gt3A_449 = arith.cmpf ogt, %squeeze3A_407, %select_n3A_445 : f32
      %select_n3A_450 = arith.select %gt3A_449, %squeeze3A_407, %select_n3A_445 : f32
      %jit3A_451 = arith.constant 1 : i32
      %select_n3A_452 = arith.select %gt3A_449, %jit3A_451, %select_n3A_448 : i32
      %gt3A_453 = arith.cmpf ogt, %squeeze3A_409, %select_n3A_450 : f32
      %select_n3A_454 = arith.select %gt3A_453, %squeeze3A_409, %select_n3A_450 : f32
      %jit3A_455 = arith.constant 2 : i32
      %select_n3A_456 = arith.select %gt3A_453, %jit3A_455, %select_n3A_452 : i32
      %gt3A_457 = arith.cmpf ogt, %squeeze3A_411, %select_n3A_454 : f32
      %select_n3A_458 = arith.select %gt3A_457, %squeeze3A_411, %select_n3A_454 : f32
      %jit3A_459 = arith.constant 3 : i32
      %select_n3A_460 = arith.select %gt3A_457, %jit3A_459, %select_n3A_456 : i32
      %gt3A_461 = arith.cmpf ogt, %squeeze3A_413, %select_n3A_458 : f32
      %select_n3A_462 = arith.select %gt3A_461, %squeeze3A_413, %select_n3A_458 : f32
      %jit3A_463 = arith.constant 4 : i32
      %select_n3A_464 = arith.select %gt3A_461, %jit3A_463, %select_n3A_460 : i32
      %gt3A_465 = arith.cmpf ogt, %squeeze3A_415, %select_n3A_462 : f32
      %select_n3A_466 = arith.select %gt3A_465, %squeeze3A_415, %select_n3A_462 : f32
      %jit3A_467 = arith.constant 5 : i32
      %select_n3A_468 = arith.select %gt3A_465, %jit3A_467, %select_n3A_464 : i32
      %ne3A_469 = arith.constant 0 : i32
      %ne3A_470 = arith.cmpi ne, %select_n3A_468, %ne3A_469 : i32
      %ne3A_471 = arith.constant 1 : i32
      %ne3A_472 = arith.cmpi ne, %select_n3A_468, %ne3A_471 : i32
      %ne3A_473 = arith.constant 2 : i32
      %ne3A_474 = arith.cmpi ne, %select_n3A_468, %ne3A_473 : i32
      %ne3A_475 = arith.constant 3 : i32
      %ne3A_476 = arith.cmpi ne, %select_n3A_468, %ne3A_475 : i32
      %ne3A_477 = arith.constant 4 : i32
      %ne3A_478 = arith.cmpi ne, %select_n3A_468, %ne3A_477 : i32
      %ne3A_479 = arith.constant 5 : i32
      %ne3A_480 = arith.cmpi ne, %select_n3A_468, %ne3A_479 : i32
      %gt3A_481 = arith.constant 0xFF800000 : f32
      %gt3A_482 = arith.cmpf ogt, %squeeze3A_405, %gt3A_481 : f32
      %and3A_483 = arith.andi %gt3A_482, %ne3A_470 : i1
      %jit3A_484 = arith.constant 0xFF800000 : f32
      %select_n3A_485 = arith.select %and3A_483, %squeeze3A_405, %jit3A_484 : f32
      %jit3A_486 = arith.constant 0 : i32
      %jit3A_487 = arith.constant 0 : i32
      %select_n3A_488 = arith.select %and3A_483, %jit3A_486, %jit3A_487 : i32
      %gt3A_489 = arith.cmpf ogt, %squeeze3A_407, %select_n3A_485 : f32
      %and3A_490 = arith.andi %gt3A_489, %ne3A_472 : i1
      %select_n3A_491 = arith.select %and3A_490, %squeeze3A_407, %select_n3A_485 : f32
      %jit3A_492 = arith.constant 1 : i32
      %select_n3A_493 = arith.select %and3A_490, %jit3A_492, %select_n3A_488 : i32
      %gt3A_494 = arith.cmpf ogt, %squeeze3A_409, %select_n3A_491 : f32
      %and3A_495 = arith.andi %gt3A_494, %ne3A_474 : i1
      %select_n3A_496 = arith.select %and3A_495, %squeeze3A_409, %select_n3A_491 : f32
      %jit3A_497 = arith.constant 2 : i32
      %select_n3A_498 = arith.select %and3A_495, %jit3A_497, %select_n3A_493 : i32
      %gt3A_499 = arith.cmpf ogt, %squeeze3A_411, %select_n3A_496 : f32
      %and3A_500 = arith.andi %gt3A_499, %ne3A_476 : i1
      %select_n3A_501 = arith.select %and3A_500, %squeeze3A_411, %select_n3A_496 : f32
      %jit3A_502 = arith.constant 3 : i32
      %select_n3A_503 = arith.select %and3A_500, %jit3A_502, %select_n3A_498 : i32
      %gt3A_504 = arith.cmpf ogt, %squeeze3A_413, %select_n3A_501 : f32
      %and3A_505 = arith.andi %gt3A_504, %ne3A_478 : i1
      %select_n3A_506 = arith.select %and3A_505, %squeeze3A_413, %select_n3A_501 : f32
      %jit3A_507 = arith.constant 4 : i32
      %select_n3A_508 = arith.select %and3A_505, %jit3A_507, %select_n3A_503 : i32
      %gt3A_509 = arith.cmpf ogt, %squeeze3A_415, %select_n3A_506 : f32
      %and3A_510 = arith.andi %gt3A_509, %ne3A_480 : i1
      %select_n3A_511 = arith.select %and3A_510, %squeeze3A_415, %select_n3A_506 : f32
      %jit3A_512 = arith.constant 5 : i32
      %select_n3A_513 = arith.select %and3A_510, %jit3A_512, %select_n3A_508 : i32
      %ne3A_514 = arith.constant 0 : i32
      %ne3A_515 = arith.cmpi ne, %select_n3A_468, %ne3A_514 : i32
      %ne3A_516 = arith.constant 0 : i32
      %ne3A_517 = arith.cmpi ne, %select_n3A_513, %ne3A_516 : i32
      %and3A_518 = arith.andi %ne3A_515, %ne3A_517 : i1
      %ne3A_519 = arith.constant 1 : i32
      %ne3A_520 = arith.cmpi ne, %select_n3A_468, %ne3A_519 : i32
      %ne3A_521 = arith.constant 1 : i32
      %ne3A_522 = arith.cmpi ne, %select_n3A_513, %ne3A_521 : i32
      %and3A_523 = arith.andi %ne3A_520, %ne3A_522 : i1
      %ne3A_524 = arith.constant 2 : i32
      %ne3A_525 = arith.cmpi ne, %select_n3A_468, %ne3A_524 : i32
      %ne3A_526 = arith.constant 2 : i32
      %ne3A_527 = arith.cmpi ne, %select_n3A_513, %ne3A_526 : i32
      %and3A_528 = arith.andi %ne3A_525, %ne3A_527 : i1
      %ne3A_529 = arith.constant 3 : i32
      %ne3A_530 = arith.cmpi ne, %select_n3A_468, %ne3A_529 : i32
      %ne3A_531 = arith.constant 3 : i32
      %ne3A_532 = arith.cmpi ne, %select_n3A_513, %ne3A_531 : i32
      %and3A_533 = arith.andi %ne3A_530, %ne3A_532 : i1
      %ne3A_534 = arith.constant 4 : i32
      %ne3A_535 = arith.cmpi ne, %select_n3A_468, %ne3A_534 : i32
      %ne3A_536 = arith.constant 4 : i32
      %ne3A_537 = arith.cmpi ne, %select_n3A_513, %ne3A_536 : i32
      %and3A_538 = arith.andi %ne3A_535, %ne3A_537 : i1
      %ne3A_539 = arith.constant 5 : i32
      %ne3A_540 = arith.cmpi ne, %select_n3A_468, %ne3A_539 : i32
      %ne3A_541 = arith.constant 5 : i32
      %ne3A_542 = arith.cmpi ne, %select_n3A_513, %ne3A_541 : i32
      %and3A_543 = arith.andi %ne3A_540, %ne3A_542 : i1
      %gt3A_544 = arith.constant 0xFF800000 : f32
      %gt3A_545 = arith.cmpf ogt, %squeeze3A_405, %gt3A_544 : f32
      %and3A_546 = arith.andi %gt3A_545, %and3A_518 : i1
      %jit3A_547 = arith.constant 0xFF800000 : f32
      %select_n3A_548 = arith.select %and3A_546, %squeeze3A_405, %jit3A_547 : f32
      %jit3A_549 = arith.constant 0 : i32
      %jit3A_550 = arith.constant 0 : i32
      %select_n3A_551 = arith.select %and3A_546, %jit3A_549, %jit3A_550 : i32
      %gt3A_552 = arith.cmpf ogt, %squeeze3A_407, %select_n3A_548 : f32
      %and3A_553 = arith.andi %gt3A_552, %and3A_523 : i1
      %select_n3A_554 = arith.select %and3A_553, %squeeze3A_407, %select_n3A_548 : f32
      %jit3A_555 = arith.constant 1 : i32
      %select_n3A_556 = arith.select %and3A_553, %jit3A_555, %select_n3A_551 : i32
      %gt3A_557 = arith.cmpf ogt, %squeeze3A_409, %select_n3A_554 : f32
      %and3A_558 = arith.andi %gt3A_557, %and3A_528 : i1
      %select_n3A_559 = arith.select %and3A_558, %squeeze3A_409, %select_n3A_554 : f32
      %jit3A_560 = arith.constant 2 : i32
      %select_n3A_561 = arith.select %and3A_558, %jit3A_560, %select_n3A_556 : i32
      %gt3A_562 = arith.cmpf ogt, %squeeze3A_411, %select_n3A_559 : f32
      %and3A_563 = arith.andi %gt3A_562, %and3A_533 : i1
      %select_n3A_564 = arith.select %and3A_563, %squeeze3A_411, %select_n3A_559 : f32
      %jit3A_565 = arith.constant 3 : i32
      %select_n3A_566 = arith.select %and3A_563, %jit3A_565, %select_n3A_561 : i32
      %gt3A_567 = arith.cmpf ogt, %squeeze3A_413, %select_n3A_564 : f32
      %and3A_568 = arith.andi %gt3A_567, %and3A_538 : i1
      %select_n3A_569 = arith.select %and3A_568, %squeeze3A_413, %select_n3A_564 : f32
      %jit3A_570 = arith.constant 4 : i32
      %select_n3A_571 = arith.select %and3A_568, %jit3A_570, %select_n3A_566 : i32
      %gt3A_572 = arith.cmpf ogt, %squeeze3A_415, %select_n3A_569 : f32
      %and3A_573 = arith.andi %gt3A_572, %and3A_543 : i1
      %select_n3A_574 = arith.select %and3A_573, %squeeze3A_415, %select_n3A_569 : f32
      %jit3A_575 = arith.constant 5 : i32
      %select_n3A_576 = arith.select %and3A_573, %jit3A_575, %select_n3A_571 : i32
      %ne3A_577 = arith.cmpi ne, %select_n3A_513, %select_n3A_441 : i32
      %select_n3A_578 = arith.select %ne3A_577, %select_n3A_513, %select_n3A_576 : i32
      %broadcast_in_dim3A_579 = vector.broadcast %select_n3A_441 : i32 to vector<16xi32>
      %swap3A = arith.constant 0 : index
      %swap3A_580 = tpu.vector_load %arg10[%swap3A] {strides = array<i32>} : memref<16xi32, #tpu.memory_space<vmem>>, vector<16xi32>,
      %swap3A_581 = vector.shape_cast %swap3A_580 : vector<16xi32> to vector<16xi32>
      %swap3A_582 = vector.shape_cast %broadcast_in_dim3A_579 : vector<16xi32> to vector<16xi32>
      tpu.vector_store %arg10[%swap3A], %swap3A_582 {strides = array<i32>} : memref<16xi32, #tpu.memory_space<vmem>>, vector<16xi32>,
      "tpu.region"() ({
        %run_scoped3A = tpu.sem_alloc : memref<!tpu.dma_semaphore, #tpu.memory_space<semaphore_mem>>
        %dma_start3A = arith.constant 0 : i32
        %dma_start3A_600 = tpu.memref_slice %arg10[%dma_start3A] : memref<16xi32, #tpu.memory_space<vmem>> -> memref<8xi32, #tpu.memory_space<vmem>>
        %dma_start3A_601 = arith.constant 0 : i32
        %dma_start3A_602 = tpu.memref_slice %arg10[%dma_start3A_601] : memref<16xi32, #tpu.memory_space<vmem>> -> memref<8xi32, #tpu.memory_space<vmem>>
        tpu.enqueue_dma source(%dma_start3A_602 : memref<8xi32, #tpu.memory_space<vmem>>) target(%arg4 : memref<8xi32, #tpu.memory_space<hbm>>) target_semaphore(%run_scoped3A : memref<!tpu.dma_semaphore, #tpu.memory_space<semaphore_mem>>)
        %dma_wait3A = arith.constant 0 : i32
        %dma_wait3A_603 = tpu.memref_slice %arg10[%dma_wait3A] : memref<16xi32, #tpu.memory_space<vmem>> -> memref<8xi32, #tpu.memory_space<vmem>>
        %dma_wait3A_604 = arith.constant 0 : i32
        %dma_wait3A_605 = tpu.memref_slice %arg10[%dma_wait3A_604] : memref<16xi32, #tpu.memory_space<vmem>> -> memref<8xi32, #tpu.memory_space<vmem>>
        tpu.wait_dma2 semaphore(%run_scoped3A : memref<!tpu.dma_semaphore, #tpu.memory_space<semaphore_mem>>) src(%dma_wait3A_605 : memref<8xi32, #tpu.memory_space<vmem>>) dst(%arg4 : memref<8xi32, #tpu.memory_space<hbm>>)
        tpu.yield
      }) : () -> ()
      %broadcast_in_dim3A_583 = vector.broadcast %select_n3A_578 : i32 to vector<16xi32>
      %swap3A_584 = arith.constant 0 : index
      %swap3A_585 = tpu.vector_load %arg10[%swap3A_584] {strides = array<i32>} : memref<16xi32, #tpu.memory_space<vmem>>, vector<16xi32>,
      %swap3A_586 = vector.shape_cast %swap3A_585 : vector<16xi32> to vector<16xi32>
      %swap3A_587 = vector.shape_cast %broadcast_in_dim3A_583 : vector<16xi32> to vector<16xi32>
      tpu.vector_store %arg10[%swap3A_584], %swap3A_587 {strides = array<i32>} : memref<16xi32, #tpu.memory_space<vmem>>, vector<16xi32>,
      "tpu.region"() ({
        %run_scoped3A = tpu.sem_alloc : memref<!tpu.dma_semaphore, #tpu.memory_space<semaphore_mem>>
        %dma_start3A = arith.constant 0 : i32
        %dma_start3A_600 = tpu.memref_slice %arg10[%dma_start3A] : memref<16xi32, #tpu.memory_space<vmem>> -> memref<8xi32, #tpu.memory_space<vmem>>
        %dma_start3A_601 = arith.constant 0 : i32
        %dma_start3A_602 = tpu.memref_slice %arg10[%dma_start3A_601] : memref<16xi32, #tpu.memory_space<vmem>> -> memref<8xi32, #tpu.memory_space<vmem>>
        tpu.enqueue_dma source(%dma_start3A_602 : memref<8xi32, #tpu.memory_space<vmem>>) target(%arg5 : memref<8xi32, #tpu.memory_space<hbm>>) target_semaphore(%run_scoped3A : memref<!tpu.dma_semaphore, #tpu.memory_space<semaphore_mem>>)
        %dma_wait3A = arith.constant 0 : i32
        %dma_wait3A_603 = tpu.memref_slice %arg10[%dma_wait3A] : memref<16xi32, #tpu.memory_space<vmem>> -> memref<8xi32, #tpu.memory_space<vmem>>
        %dma_wait3A_604 = arith.constant 0 : i32
        %dma_wait3A_605 = tpu.memref_slice %arg10[%dma_wait3A_604] : memref<16xi32, #tpu.memory_space<vmem>> -> memref<8xi32, #tpu.memory_space<vmem>>
        tpu.wait_dma2 semaphore(%run_scoped3A : memref<!tpu.dma_semaphore, #tpu.memory_space<semaphore_mem>>) src(%dma_wait3A_605 : memref<8xi32, #tpu.memory_space<vmem>>) dst(%arg5 : memref<8xi32, #tpu.memory_space<hbm>>)
        tpu.yield
      }) : () -> ()
      %broadcast_in_dim3A_588 = arith.constant 1.000000e+00 : f32
      %broadcast_in_dim3A_589 = vector.broadcast %broadcast_in_dim3A_588 : f32 to vector<16xf32>
      %swap3A_590 = arith.constant 0 : index
      %swap3A_591 = tpu.vector_load %arg11[%swap3A_590] {strides = array<i32>} : memref<16xf32, #tpu.memory_space<vmem>>, vector<16xf32>,
      %swap3A_592 = vector.shape_cast %swap3A_591 : vector<16xf32> to vector<16xf32>
      %swap3A_593 = vector.shape_cast %broadcast_in_dim3A_589 : vector<16xf32> to vector<16xf32>
      tpu.vector_store %arg11[%swap3A_590], %swap3A_593 {strides = array<i32>} : memref<16xf32, #tpu.memory_space<vmem>>, vector<16xf32>,
      "tpu.region"() ({
        %run_scoped3A = tpu.sem_alloc : memref<!tpu.dma_semaphore, #tpu.memory_space<semaphore_mem>>
        %dma_start3A = arith.constant 0 : i32
        %dma_start3A_600 = tpu.memref_slice %arg11[%dma_start3A] : memref<16xf32, #tpu.memory_space<vmem>> -> memref<8xf32, #tpu.memory_space<vmem>>
        %dma_start3A_601 = arith.constant 0 : i32
        %dma_start3A_602 = tpu.memref_slice %arg11[%dma_start3A_601] : memref<16xf32, #tpu.memory_space<vmem>> -> memref<8xf32, #tpu.memory_space<vmem>>
        tpu.enqueue_dma source(%dma_start3A_602 : memref<8xf32, #tpu.memory_space<vmem>>) target(%arg6 : memref<8xf32, #tpu.memory_space<hbm>>) target_semaphore(%run_scoped3A : memref<!tpu.dma_semaphore, #tpu.memory_space<semaphore_mem>>)
        %dma_wait3A = arith.constant 0 : i32
        %dma_wait3A_603 = tpu.memref_slice %arg11[%dma_wait3A] : memref<16xf32, #tpu.memory_space<vmem>> -> memref<8xf32, #tpu.memory_space<vmem>>
        %dma_wait3A_604 = arith.constant 0 : i32
        %dma_wait3A_605 = tpu.memref_slice %arg11[%dma_wait3A_604] : memref<16xf32, #tpu.memory_space<vmem>> -> memref<8xf32, #tpu.memory_space<vmem>>
        tpu.wait_dma2 semaphore(%run_scoped3A : memref<!tpu.dma_semaphore, #tpu.memory_space<semaphore_mem>>) src(%dma_wait3A_605 : memref<8xf32, #tpu.memory_space<vmem>>) dst(%arg6 : memref<8xf32, #tpu.memory_space<hbm>>)
        tpu.yield
      }) : () -> ()
      %broadcast_in_dim3A_594 = arith.constant 0.000000e+00 : f32
      %broadcast_in_dim3A_595 = vector.broadcast %broadcast_in_dim3A_594 : f32 to vector<16xf32>
      %swap3A_596 = arith.constant 0 : index
      %swap3A_597 = tpu.vector_load %arg11[%swap3A_596] {strides = array<i32>} : memref<16xf32, #tpu.memory_space<vmem>>, vector<16xf32>,
      %swap3A_598 = vector.shape_cast %swap3A_597 : vector<16xf32> to vector<16xf32>
      %swap3A_599 = vector.shape_cast %broadcast_in_dim3A_595 : vector<16xf32> to vector<16xf32>
      tpu.vector_store %arg11[%swap3A_596], %swap3A_599 {strides = array<i32>} : memref<16xf32, #tpu.memory_space<vmem>>, vector<16xf32>,
      "tpu.region"() ({
        %run_scoped3A = tpu.sem_alloc : memref<!tpu.dma_semaphore, #tpu.memory_space<semaphore_mem>>
        %dma_start3A = arith.constant 0 : i32
        %dma_start3A_600 = tpu.memref_slice %arg11[%dma_start3A] : memref<16xf32, #tpu.memory_space<vmem>> -> memref<8xf32, #tpu.memory_space<vmem>>
        %dma_start3A_601 = arith.constant 0 : i32
        %dma_start3A_602 = tpu.memref_slice %arg11[%dma_start3A_601] : memref<16xf32, #tpu.memory_space<vmem>> -> memref<8xf32, #tpu.memory_space<vmem>>
        tpu.enqueue_dma source(%dma_start3A_602 : memref<8xf32, #tpu.memory_space<vmem>>) target(%arg7 : memref<8xf32, #tpu.memory_space<hbm>>) target_semaphore(%run_scoped3A : memref<!tpu.dma_semaphore, #tpu.memory_space<semaphore_mem>>)
        %dma_wait3A = arith.constant 0 : i32
        %dma_wait3A_603 = tpu.memref_slice %arg11[%dma_wait3A] : memref<16xf32, #tpu.memory_space<vmem>> -> memref<8xf32, #tpu.memory_space<vmem>>
        %dma_wait3A_604 = arith.constant 0 : i32
        %dma_wait3A_605 = tpu.memref_slice %arg11[%dma_wait3A_604] : memref<16xf32, #tpu.memory_space<vmem>> -> memref<8xf32, #tpu.memory_space<vmem>>
        tpu.wait_dma2 semaphore(%run_scoped3A : memref<!tpu.dma_semaphore, #tpu.memory_space<semaphore_mem>>) src(%dma_wait3A_605 : memref<8xf32, #tpu.memory_space<vmem>>) dst(%arg7 : memref<8xf32, #tpu.memory_space<hbm>>)
        tpu.yield
      }) : () -> ()
    } else {
    }
    return
  }
}

</mosaic_0001>

<sc_bundles>
// kernel: kernel.3.cloned.1.call-start
scs
__scs_entry_jumppad:
0x0: {  	(pc) =	sbr.rel $0x88, $3  }
0x1: {  	(tag) =	ssettag $0x0;
	lr =	simm.s32 $0x1  }
0x2: {  	[smem:$0x3F9F] =	sst lr;
	_ =	strace $0xD0000000  }
0x3: {  	_ = 	snop  }
0x4: {  	_ = 	snop  }
0x5: {  	_ = 	snop  }
0x6: {  	_ = 	snop  }
0x7: {  	_ = 	snop  }
__scs_overlays_trampoline_lowered:
0x8: {  	[smem:$0x3FAE] =	sst s0  }
0x9: {  	[smem:$0x3FAF] =	sst s1  }
0xa: {  	[smem:$0x3FB0] =	sst s2  }
0xb: {  	[smem:$0x3FB1] =	sst s3  }
0xc: {  	[smem:$0x3FB2] =	sst s4  }
0xd: {  	[smem:$0x3FB3] =	sst s5  }
0xe: {  	[smem:$0x3FB4] =	sst s6  }
0xf: {  	[smem:$0x3FB5] =	sst s7  }
0x10: {  	[smem:$0x3FB6] =	sst s8  }
0x11: {  	[smem:$0x3FB7] =	sst s9;
	s0 =	simm.s32 @!p0 $0x0  }
0x12: {  	s1 =	sld [smem:$0x3F9D];
	s0 =	simm.s32 @p0 $0x1  }
0x13: {  	[smem:$0x3FB8] =	sst s0;
	s0 =	simm.s32 @!p1 $0x0  }
0x14: {  	s2 =	sld [smem:$0x3F9C];
	s0 =	simm.s32 @p1 $0x1  }
0x15: {  	[smem:$0x3FB9] =	sst s0;
	s0 =	simm.s32 @!p2 $0x0  }
0x16: {  	s3 =	sld [smem:$0x3FDB];
	s0 =	simm.s32 @p2 $0x1  }
0x17: {  	s4 =	simm.s32 $0x1BF5;
	[smem:$0x3FBB] =	sst s0  }
0x18: {  	s0 =	sld [smem:$0x3F9E];
	_ =	swait.ge [sflag:s4], $0x0  }
0x19: {  	s7 =	sld [smem:$0x3F9F]  }
0x1a: {  	s8 =	sadd.s32 $0xFFFFE003, lr  }
0x1b: {  	s9 =	sadd.s32 $0xFFFFFEF7, lr;
	s5 =	simm.s32 $0xFFFFFFFF;
	p2 =	slt.u32 s8, $0xFFFFF086  }
0x1c: {  	p1 =	slt.u32 s9, $0xF7A;
	s5 =	simm.s32 @!p2 $0x0  }
0x1d: {  	s5 =	simm.s32 @p1 $0x1;
	p0 =	seq.s32 s7, s2  }
0x1e: {  	s7 =	smul.u32 @!p0 $0xF7A, s2;
	p2 =	seq.s32 @!p0 s5, $0x0  }
0x1f: {  	s9 =	smul.u32 $0xF7A, s1;
	s8 =	simm.s32 @!p0 $0x1BF5;
	p2 =	por !p2, p0  }
0x20: {  	[sflag:s8] =	ssyncset.s32 @!p0 $0xFFFFF086;
	s6 =	sadd.s32 @!p0 s3, s7;
	s7 =	simm.s32 @!p0 $0x108  }
0x21: {  	s3 =	sadd.s32 s3, s9;
	s6 =	sadd.s32 @!p0 $0x88, s6;
	s7 =	simm.s32 @p2 $0x1082  }
0x22: {  	[simem:s7], [sflag:s8] =	dma.local @!p0 [hbm:s6], $0xF7A  }
0x23: {  	s9 =	sor.u32 $0xD0000000, s2;
	s6 =	simm.s32 $0x108;
	_ =	swait.ge @!p0 [sflag:s8], $0x0  }
0x24: {  	s3 =	sadd.s32 $0x88, s3;
	s6 =	simm.s32 @!p1 $0x1082;
	[sflag:s4] =	ssyncset.s32 $0xFFFFF086  }
0x25: {  	[simem:s6], [sflag:s4] =	dma.local [hbm:s3], $0xF7A  }
0x26: {  	[smem:$0x3F9F] =	sst s1;
	(tag) =	ssettag s2;
	_ =	strace s9  }
0x27: {  	s1 =	sld [smem:$0x3FAF]  }
0x28: {  	s2 =	sld [smem:$0x3FB0]  }
0x29: {  	s4 =	sld [smem:$0x3FB2]  }
0x2a: {  	p0 =	seq.s32 s5, $0x0;
	s5 =	sld [smem:$0x3FB3]  }
0x2b: {  	s6 =	sld [smem:$0x3FB4]  }
0x2c: {  	s7 =	sld [smem:$0x3FB5]  }
0x2d: {  	s3 =	simm.s32 $0x108;
	s8 =	sld [smem:$0x3FB6]  }
0x2e: {  	s3 =	simm.s32 @!p0 $0x1082;
	s9 =	sld [smem:$0x3FB7]  }
0x2f: {  	lr =	sadd.s32 s0, s3;
	s0 =	sld [smem:$0x3FAE]  }
0x30: {  	s3 =	sld [smem:$0x3FB1]  }
0x31: {  	[smem:$0x3FBA] =	sst s10  }
0x32: {  	s10 =	sld [smem:$0x3FB8];
	_ =	sdelay $0x3  }
0x33: {  	p0 =	seq.s32 s10, $0x1;
	s10 =	sld [smem:$0x3FBA];
	_ =	sdelay $0x3  }
0x34: {  	[smem:$0x3FBA] =	sst s10  }
0x35: {  	s10 =	sld [smem:$0x3FB9];
	_ =	sdelay $0x3  }
0x36: {  	p1 =	seq.s32 s10, $0x1;
	s10 =	sld [smem:$0x3FBA];
	_ =	sdelay $0x3  }
0x37: {  	[smem:$0x3FBA] =	sst s10  }
0x38: {  	s10 =	sld [smem:$0x3FBB]  }
0x39: {  	_ = 	snop;
	(pc) =	sbr.ind lr, $3  }
0x3a: {  	_ = 	snop  }
0x3b: {  	_ = 	snop  }
0x3c: {  	p2 =	seq.s32 s10, $0x1;
	s10 =	sld [smem:$0x3FBA]  }
0x3d: {  	_ =	shalt  }
0x3e: {  	_ =	shalt  }
0x3f: {  	_ =	shalt  }
0x40: {  	_ =	shalt  }
0x41: {  	_ =	shalt  }
0x42: {  	_ =	shalt  }
0x43: {  	_ =	shalt  }
0x44: {  	_ =	shalt  }
0x45: {  	_ =	shalt  }
0x46: {  	_ =	shalt  }
0x47: {  	_ =	shalt  }
0x48: {  	_ =	shalt  }
0x49: {  	_ =	shalt  }
0x4a: {  	_ =	shalt  }
0x4b: {  	_ =	shalt  }
0x4c: {  	_ =	shalt  }
0x4d: {  	_ =	shalt  }
0x4e: {  	_ =	shalt  }
0x4f: {  	_ =	shalt  }
0x50: {  	_ =	shalt  }
0x51: {  	_ =	shalt  }
0x52: {  	_ =	shalt  }
0x53: {  	_ =	shalt  }
0x54: {  	_ =	shalt  }
0x55: {  	_ =	shalt  }
0x56: {  	_ =	shalt  }
0x57: {  	_ =	shalt  }
0x58: {  	_ =	shalt  }
0x59: {  	_ =	shalt  }
0x5a: {  	_ =	shalt  }
0x5b: {  	_ =	shalt  }
0x5c: {  	_ =	shalt  }
0x5d: {  	_ =	shalt  }
0x5e: {  	_ =	shalt  }
0x5f: {  	_ =	shalt  }
0x60: {  	_ =	shalt  }
0x61: {  	_ =	shalt  }
0x62: {  	_ =	shalt  }
0x63: {  	_ =	shalt  }
0x64: {  	_ =	shalt  }
0x65: {  	_ =	shalt  }
0x66: {  	_ =	shalt  }
0x67: {  	_ =	shalt  }
0x68: {  	_ =	shalt  }
0x69: {  	_ =	shalt  }
0x6a: {  	_ =	shalt  }
0x6b: {  	_ =	shalt  }
0x6c: {  	_ =	shalt  }
0x6d: {  	_ =	shalt  }
0x6e: {  	_ =	shalt  }
0x6f: {  	_ =	shalt  }
0x70: {  	_ =	shalt  }
0x71: {  	_ =	shalt  }
0x72: {  	_ =	shalt  }
0x73: {  	_ =	shalt  }
0x74: {  	_ =	shalt  }
0x75: {  	_ =	shalt  }
0x76: {  	_ =	shalt  }
0x77: {  	_ =	shalt  }
0x78: {  	_ =	shalt  }
0x79: {  	_ =	shalt  }
0x7a: {  	_ =	shalt  }
0x7b: {  	_ =	shalt  }
0x7c: {  	_ =	shalt  }
0x7d: {  	_ =	shalt  }
0x7e: {  	_ =	shalt  }
0x7f: {  	_ =	shalt  }
0x80: {  	_ =	shalt  }
0x81: {  	_ =	shalt  }
0x82: {  	_ =	shalt  }
0x83: {  	_ =	shalt  }
0x84: {  	_ =	shalt  }
0x85: {  	_ =	shalt  }
0x86: {  	_ =	shalt  }
0x87: {  	_ =	shalt  }
.Lfunc_end0:
.L_simem_size_0:
called_computation_lowered:
.L_overlay_start_0:
0x88: {  	s2 =	sld [smem:$0x3FD9]  }
0x89: {  	s3 =	sld [smem:$0x3FFE];
	_ =	sdelay $0x1  }
0x8a: {  	s1 =	srdreg.scid  }
0x8b: {  	s0 =	sand.u32 $0x1, s1  }
0x8c: {  	s15 =	sshll.u32 s0, $0xA;
	s2 =	sadd.s32 s3, s2  }
0x8d: {  	s2 =	sadd.s32 s2, s15  }
0x8e: {  	[smem:$0x3FC6] =	sst s2  }
0x8f: {  	_ = 	snop  }
0x90: {  	s2 =	sld [smem:$0x3FD0];
	_ =	sdelay $0x1  }
0x91: {  	s16 =	sld [smem:$0x3FC9]  }
0x92: {  	s5 =	simm.s32 $0xA;
	s6 =	simm.s32 $0x10;
	s4 =	sld [smem:$0x3FC8]  }
0x93: {  	[smem:s6], [sflag:s5] =	dma.local [hbm:s2], $0x1  }
0x94: {  	_ =	swait.eq [sflag:s5], $0x1  }
0x95: {  	s17 =	sld [smem:$0x10]  }
0x96: {  	s18 =	sld [smem:$0x11];
	[sflag:s5] =	ssyncset.done $0x0  }
0x97: {  	s7 =	sld [smem:$0x12];
	[sflag:s5] =	ssyncadd.s32 $0xFFFFFFFF  }
0x98: {  	s19 =	sld [smem:$0x13];
	(tm) =	ssettm $0x1  }
0x99: {  	s8 =	sld [smem:$0x3FFB];
	_ =	sdelay $0x3  }
0x9a: {  	_ =	strace s8  }
0x9b: {  	s8 =	sld [smem:$0x3FFC];
	_ =	sdelay $0x3  }
0x9c: {  	_ =	strace s8  }
0x9d: {  	s8 =	sld [smem:$0x3FFD];
	_ =	sdelay $0x3  }
0x9e: {  	_ =	strace s8  }
0x9f: {  	_ =	strace $0x8FFFFFFF  }
0xa0: {  	s20 =	sld [smem:$0x3FDB];
	_ =	sdelay $0x1  }
0xa1: {  	s9 =	simm.s32 $_scs_section_size  }
0xa2: {  	s10 =	simm.s32 $_size__tile_overlayer_lowered;
	s11 =	simm.s32 $_tile_overlayer_lowered  }
0xa3: {  	s23 =	simm.s32 $0x1BFF;
	s22 =	sshll.u32 s11, $0x1;
	s8 =	sadd.s32 s9, s20  }
0xa4: {  	s12 =	simm.s32 $0x0;
	s21 =	sshll.u32 s10, $0x1;
	s10 =	sadd.s32 s22, s8  }
0xa5: {  	[timem:s12], [sflag:s23] =	dma.local [hbm:s10], s21  }
0xa6: {  	_ =	swait.ge [sflag:s23], s21  }
0xa7: {  	s9 =	ssub.s32 $0x0, s21;
	[sflag:s23] =	ssyncset.done $0x0  }
0xa8: {  	[sflag:s23] =	ssyncadd.s32 s9;
	_ =	sdelay $0x1  }
0xa9: {  	s24 =	simm.s32 $0x1B8B  }
0xaa: {  	_ =	swait.ge [sflag:s24], $0x1  }
0xab: {  	[sflag:s24] =	ssyncset.done $0x0  }
0xac: {  	s25 =	simm.s32 $0x1B8E;
	[sflag:s24] =	ssyncadd.s32 $0xFFFFFFFF  }
0xad: {  	s26 =	simm.s32 $execute0_lowered;
	[smem:$0x3FD2] =	sst s25  }
0xae: {  	s9 =	sshll.u32 s26, $0x1;
	_ =	strace $0x80000046;
	[dreg:$0x1] =	wrdreg $0xFFFFFFFF  }
0xaf: {  	s28 =	simm.s32 $_size_execute0_lowered;
	s8 =	sadd.s32 s8, s9;
	[dreg:$0x0] =	wrdreg $0x0  }
0xb0: {  	s9 =	sshll.u32 s28, $0x1;
	[dreg:$0x2] =	wrdreg s8  }
0xb1: {  	[dreg:$0x3] =	wrdreg s9  }
0xb2: {  	[dreg:$0x4] =	wrdreg $0xC0  }
0xb3: {  	_ =	task [dreg:s12], $0x5FFFF  }
0xb4: {  	[dreg:$0x1] =	wrdreg $0xFFFFFFFF  }
0xb5: {  	[dreg:$0x0] =	wrdreg $0x60  }
0xb6: {  	[dreg:$0x2] =	wrdreg s4  }
0xb7: {  	[dreg:$0x3] =	wrdreg s16  }
0xb8: {  	[dreg:$0x4] =	wrdreg s17  }
0xb9: {  	[dreg:$0x5] =	wrdreg s18  }
0xba: {  	[dreg:$0x6] =	wrdreg s7  }
0xbb: {  	[dreg:$0x7] =	wrdreg s19  }
0xbc: {  	[dreg:$0x8] =	wrdreg $0x9  }
0xbd: {  	_ =	task.clear_ibuf [dreg:s12], $0x9FFFF;
	_ =	strace $0x90000046  }
0xbe: {  	s29 =	simm.s32 $0x9;
	_ =	strace $0x80000048  }
0xbf: {  	_ =	swait.ge [sflag:s29], $0x1  }
0xc0: {  	[sflag:s29] =	ssyncadd.s32 $0xFFFFFFFF  }
0xc1: {  	_ =	strace $0x90000048  }
0xc2: {  	_ =	sfence  }
0xc3: {  	s30 =	sld [smem:$0x0];
	_ =	sdelay $0x2  }
0xc4: {  	s31 =	sshll.u32 s1, $0xD;
	s1 =	sshrl.u32 s1, $0x2  }
0xc5: {  	s3 =	sand.u32 $0x4000, s31;
	s1 =	sadd.s32 s1, s30  }
0xc6: {  	s0 =	sor.u32 s3, s0;
	s1 =	sshll.u32 s1, $0x11  }
0xc7: {  	s0 =	sor.u32 s1, s0  }
0xc8: {  	s0 =	sadd.s32 $0x8F2B, s0  }
0xc9: {  	[sflag:s0] =	ssyncadd.remote.s32 $0x1  }
0xca: {  	_ =	sfence.sel $0xFFFF  }
0xcb: {  	[dreg:$0x0] =	wrdreg $0xFFFFFFFF;
	(pc) =	sbr.abs _section_cstart, $3  }
0xcc: {  	[dreg:$0x1] =	wrdreg $0xFFFFFFFF  }
0xcd: {  	_ =	task.clear_ibuf [dreg:s12], $0x2FFFF;
	_ =	strace $0x9FFFFFFF  }
0xce: {  	(tm) =	ssettm $0x7FFFFFFF  }
0xcf: {  	_ =	shalt  }
tec
execute0_lowered:
.L_overlay_start_1:
0x0: {  	(tag) =	ssettag $0x1  }
0x1: {  	s0 =	rddreg [dreg:$0x0]  }
0x2: {  	s26 =	rddreg [dreg:$0x1]  }
0x3: {  	s28 =	rddreg [dreg:$0x2]  }
0x4: {  	s29 =	rddreg [dreg:$0x3]  }
0x5: {  	s30 =	rddreg [dreg:$0x4];
	s31 =	srdreg.scid  }
0x6: {  	[dreg:$0x7] =	wrdreg s0;
	s2 =	sand.u32 $0x1, s31;
	s0 =	stileid.u32  }
0x7: {  	s1 =	rddreg [dreg:$0x5];
	s3 =	sshll.u32 s0, $0x1;
	s4 =	ssub.s32 $0x0, s2  }
0x8: {  	[dreg:$0x9] =	wrdreg s26;
	p0 =	sne.s32 s3, s4  }
.Ltmp0:
0x9: {  	[dreg:$0xa] =	wrdreg s28;
	(pc) =	sbr.rel @p0 .LBB2_7-.Ltmp0, $4  }
0xa: {  	[dreg:$0xb] =	wrdreg s29  }
0xb: {  	[dreg:$0xc] =	wrdreg s30  }
0xc: {  	[dreg:$0xd] =	wrdreg s1  }
0xd: {  	s1 =	rddreg [dreg:$0x6];
	_ =	strace $0x80000047  }
0xe: {  	s2 =	ssub.s32 $0x2, s2  }
0xf: {  	s3 =	sshrl.u32 s2, $0x1  }
0x10: {  	s2 =	ssub.s32 s2, s3  }
0x11: {  	s6 =	smax.u32 s2, $0x1  }
0x12: {  	p0 =	sne.s32 s6, $0x1  }
.Ltmp1:
0x13: {  	_ = 	snop;
	(pc) =	sbr.rel @!p0 .LBB2_6-.Ltmp1, $4  }
0x14: {  	_ = 	snop  }
0x15: {  	s4 =	simm.s32 $0x80;
	s5 =	simm.s32 $0x100  }
0x16: {  	v3 =	vlaneseq.u32;
	p1 =	por $0x0, $0x0;
	[dreg:$0x8] =	wrdreg s4;
	s4 =	simm.s32 $0x180  }
0x17: {  	v2 =	vimm.s32 $0xFFFFFF81;
	v1 =	vimm.f32 $1.000000000e+00;
	v0 =	vimm.f32 $0.0e+00;
	s3 =	simm.s32 $0x0;
	s2 =	simm.s32 $0x1;
	s6 =	sadd.s32 $0xFFFFFFFF, s6  }
0x18: {  	s7 =	rddreg [dreg:$0x7]  }
0x19: {  	[tilespmem:s3], [sflag:$0x1] =	stream.linear.gather [hbm4b:s7+s3], $0x1, $0x38;
	[tilespmem:$0x200] =	vst v63  }
0x1a: {  	_ =	swait.ge [sflag:s2], $0x1  }
0x1b: {  	s16 =	rddreg [dreg:$0x8];
	[sflag:s2] =	ssyncset.done $0x0  }
0x1c: {  	s8 =	rddreg [dreg:$0x9];
	[sflag:s2] =	ssyncadd.s32 $0xFFFFFFFF  }
0x1d: {  	[tilespmem:s16], [sflag:$0x1] =	stream.linear.gather [hbm4b:s8+s3], $0x6, $0x38;
	[tilespmem:$0x200] =	vst v63  }
0x1e: {  	_ =	swait.ge [sflag:s2], $0x6  }
0x1f: {  	[sflag:s2] =	ssyncset.done $0x0  }
0x20: {  	[sflag:s2] =	ssyncadd.s32 $0xFFFFFFFA  }
0x21: {  	v4 =	vld [tilespmem:$0x0];
	_ =	sdelay $0x4  }
0x22: {  	(v2sf) =	vpush v4, $0x0;
	_ =	sdelay $0xe  }
0x23: {  	s17 =	spop (v2sf)  }
0x24: {  	s18 =	smulhi.u32 $0x51EB851F, s17;
	s9 =	sshra.s32 s17, $0x1F  }
0x25: {  	s9 =	smul.u32 $0x51EB851F, s9;
	_ =	sdelay $0x1  }
0x26: {  	s8 =	sadd.s32 s9, s18  }
0x27: {  	s9 =	sshrl.u32 s8, $0x1F;
	s8 =	sshra.s32 s8, $0x4  }
0x28: {  	s8 =	sadd.s32 s9, s8  }
0x29: {  	s8 =	smul.u32 $0x32, s8;
	_ =	sdelay $0x1  }
0x2a: {  	s7 =	ssub.s32 s17, s8  }
0x2b: {  	p0 =	slt.s32 s7, $0x0;
	s8 =	sadd.s32 $0x32, s7  }
0x2c: {  	s7 =	smov.u32 @p0 s8  }
0x2d: {  	v4 =	vadd.s32 s7, v3  }
0x2e: {  	v5 =	vshrl.u32 v4, $0x13;
	v6 =	vshll.u32 v4, $0xD  }
0x2f: {  	v5 =	vor.u32 v5, v6  }
0x30: {  	v5 =	vxor.u32 v4, v5  }
0x31: {  	v17 =	vshrl.u32 v5, $0x11;
	v7 =	vshll.u32 v5, $0xF  }
0x32: {  	v4 =	vadd.s32 v4, v5;
	v5 =	vor.u32 v17, v7  }
0x33: {  	v5 =	vxor.u32 v4, v5  }
0x34: {  	v18 =	vshrl.u32 v5, $0x6;
	v19 =	vshll.u32 v5, $0x1A  }
0x35: {  	v4 =	vadd.s32 v4, v5;
	v5 =	vor.u32 v18, v19  }
0x36: {  	v5 =	vxor.u32 v4, v5  }
0x37: {  	v20 =	vshrl.u32 v5, $0x1A;
	v21 =	vshll.u32 v5, $0x6  }
0x38: {  	v8 =	vmov s7;
	v4 =	vadd.s32 v4, v5;
	v5 =	vor.u32 v20, v21  }
0x39: {  	v22 =	vxor.u32 $0x1BD11BDA, v8;
	v5 =	vxor.u32 v4, v5  }
0x3a: {  	v5 =	vadd.s32 v5, v22  }
0x3b: {  	v5 =	vadd.s32 $0x1, v5  }
0x3c: {  	v4 =	vadd.s32 s7, v4;
	v23 =	vshrl.u32 v5, $0xF;
	v24 =	vshll.u32 v5, $0x11  }
0x3d: {  	v4 =	vadd.s32 v5, v4;
	v5 =	vor.u32 v23, v24  }
0x3e: {  	v5 =	vxor.u32 v4, v5  }
0x3f: {  	v25 =	vshrl.u32 v5, $0x3;
	v26 =	vshll.u32 v5, $0x1D  }
0x40: {  	v4 =	vadd.s32 v4, v5;
	v5 =	vor.u32 v25, v26  }
0x41: {  	v5 =	vxor.u32 v4, v5  }
0x42: {  	v27 =	vshrl.u32 v5, $0x10;
	v28 =	vshll.u32 v5, $0x10  }
0x43: {  	v4 =	vadd.s32 v4, v5;
	v5 =	vor.u32 v27, v28  }
0x44: {  	v5 =	vxor.u32 v4, v5  }
0x45: {  	v29 =	vshrl.u32 v5, $0x8;
	v30 =	vshll.u32 v5, $0x18  }
0x46: {  	v4 =	vadd.s32 v4, v5;
	v5 =	vor.u32 v29, v30  }
0x47: {  	v5 =	vxor.u32 v4, v5  }
0x48: {  	v5 =	vadd.s32 $0x2, v5  }
0x49: {  	v4 =	vadd.s32 v22, v4;
	v31 =	vshrl.u32 v5, $0x13;
	v32 =	vshll.u32 v5, $0xD  }
0x4a: {  	v4 =	vadd.s32 v5, v4;
	v5 =	vor.u32 v31, v32  }
0x4b: {  	v5 =	vxor.u32 v4, v5  }
0x4c: {  	v33 =	vshrl.u32 v5, $0x11;
	v34 =	vshll.u32 v5, $0xF  }
0x4d: {  	v4 =	vadd.s32 v4, v5;
	v5 =	vor.u32 v33, v34  }
0x4e: {  	v5 =	vxor.u32 v4, v5  }
0x4f: {  	v35 =	vshrl.u32 v5, $0x6;
	v36 =	vshll.u32 v5, $0x1A  }
0x50: {  	v4 =	vadd.s32 v4, v5;
	v5 =	vor.u32 v35, v36  }
0x51: {  	v5 =	vxor.u32 v4, v5  }
0x52: {  	v37 =	vshrl.u32 v5, $0x1A;
	v38 =	vshll.u32 v5, $0x6  }
0x53: {  	v4 =	vadd.s32 v4, v5;
	v5 =	vor.u32 v37, v38  }
0x54: {  	v5 =	vxor.u32 v4, v5  }
0x55: {  	v5 =	vadd.s32 s7, v5  }
0x56: {  	v5 =	vadd.s32 $0x3, v5  }
0x57: {  	v39 =	vshrl.u32 v5, $0xF;
	v40 =	vshll.u32 v5, $0x11  }
0x58: {  	v4 =	vadd.s32 v4, v5;
	v5 =	vor.u32 v39, v40  }
0x59: {  	v5 =	vxor.u32 v4, v5  }
0x5a: {  	v41 =	vshrl.u32 v5, $0x3;
	v42 =	vshll.u32 v5, $0x1D  }
0x5b: {  	v4 =	vadd.s32 v4, v5;
	v5 =	vor.u32 v41, v42  }
0x5c: {  	v5 =	vxor.u32 v4, v5  }
0x5d: {  	v43 =	vshrl.u32 v5, $0x10;
	v44 =	vshll.u32 v5, $0x10  }
0x5e: {  	v4 =	vadd.s32 v4, v5;
	v5 =	vor.u32 v43, v44  }
0x5f: {  	v5 =	vxor.u32 v4, v5  }
0x60: {  	v45 =	vshrl.u32 v5, $0x8;
	v46 =	vshll.u32 v5, $0x18  }
0x61: {  	v4 =	vadd.s32 v4, v5;
	v5 =	vor.u32 v45, v46  }
0x62: {  	v5 =	vxor.u32 v4, v5  }
0x63: {  	v5 =	vadd.s32 v5, v22  }
0x64: {  	v5 =	vadd.s32 $0x4, v5  }
0x65: {  	v4 =	vadd.s32 s7, v4;
	v47 =	vshrl.u32 v5, $0x13;
	v48 =	vshll.u32 v5, $0xD  }
0x66: {  	v4 =	vadd.s32 v5, v4;
	v5 =	vor.u32 v47, v48  }
0x67: {  	v5 =	vxor.u32 v4, v5  }
0x68: {  	v49 =	vshrl.u32 v5, $0x11;
	v50 =	vshll.u32 v5, $0xF  }
0x69: {  	v4 =	vadd.s32 v4, v5;
	v5 =	vor.u32 v49, v50  }
0x6a: {  	v5 =	vxor.u32 v4, v5  }
0x6b: {  	v51 =	vshrl.u32 v5, $0x6;
	v52 =	vshll.u32 v5, $0x1A  }
0x6c: {  	v4 =	vadd.s32 v4, v5;
	v5 =	vor.u32 v51, v52  }
0x6d: {  	v5 =	vxor.u32 v4, v5  }
0x6e: {  	v53 =	vshrl.u32 v5, $0x1A;
	v54 =	vshll.u32 v5, $0x6  }
0x6f: {  	v4 =	vadd.s32 v4, v5;
	v5 =	vor.u32 v53, v54  }
0x70: {  	v5 =	vxor.u32 v4, v5  }
0x71: {  	v4 =	vadd.s32 v22, v4;
	v5 =	vadd.s32 $0x5, v5  }
0x72: {  	v4 =	vxor.u32 v4, v5  }
0x73: {  	v4 =	vshrl.u32 v4, $0x9  }
0x74: {  	v4 =	vor.u32 $0x3F800000, v4  }
0x75: {  	v4 =	vadd.f32 $-1.000000000e+00, v4;
	_ =	sdelay $0x1  }
0x76: {  	v4 =	vadd.f32 $1.000000010e-10, v4;
	_ =	sdelay $0x1  }
0x77: {  	v4 =	vmax.f32 v4, $1.000000010e-10  }
0x78: {  	v5 =	vand.u32 $0x7FFFFF, v4  }
0x79: {  	v5 =	vor.u32 $0x3F800000, v5  }
0x7a: {  	v55 =	vmul.f32 $5.000000000e-01, v5  }
0x7b: {  	vm0 =	vge.f32 v5, $1.500000000e+00  }
0x7c: {  	v5 =	vsel vm0, v55, v5  }
0x7d: {  	v6 =	vadd.f32 $1.000000000e+00, v5;
	_ =	sdelay $0x1  }
0x7e: {  	(erf) = vrcp.f32 v6;
	_ =	sdelay $0x7  }
0x7f: {  	v5 =	vadd.f32 $-1.000000000e+00, v5  }
0x80: {  	v6 =	vpop (erf)  }
0x81: {  	v5 =	vmul.f32 v6, v5;
	_ =	sdelay $0x1  }
0x82: {  	v6 =	vmul.f32 v5, v5;
	_ =	sdelay $0x1  }
0x83: {  	v56 =	vmul.f32 $6.666667010e-02, v6;
	_ =	sdelay $0x1  }
0x84: {  	v7 =	vadd.f32 $7.692307980e-02, v56;
	_ =	sdelay $0x1  }
0x85: {  	v7 =	vmul.f32 v7, v6;
	_ =	sdelay $0x1  }
0x86: {  	v7 =	vadd.f32 $9.090909360e-02, v7;
	_ =	sdelay $0x1  }
0x87: {  	v7 =	vmul.f32 v7, v6;
	_ =	sdelay $0x1  }
0x88: {  	v7 =	vadd.f32 $1.111111120e-01, v7;
	_ =	sdelay $0x1  }
0x89: {  	v7 =	vmul.f32 v7, v6;
	_ =	sdelay $0x1  }
0x8a: {  	v7 =	vadd.f32 $1.428571490e-01, v7;
	_ =	sdelay $0x1  }
0x8b: {  	v7 =	vmul.f32 v7, v6;
	_ =	sdelay $0x1  }
0x8c: {  	v7 =	vadd.f32 $2.000000030e-01, v7;
	_ =	sdelay $0x1  }
0x8d: {  	v7 =	vmul.f32 v7, v6;
	_ =	sdelay $0x1  }
0x8e: {  	v7 =	vadd.f32 $3.333333430e-01, v7;
	_ =	sdelay $0x1  }
0x8f: {  	v6 =	vmul.f32 v7, v6;
	_ =	sdelay $0x1  }
0x90: {  	v6 =	vadd.f32 v6, v6;
	_ =	sdelay $0x1  }
0x91: {  	v4 =	vshra.s32 v4, $0x17;
	v57 =	vsel vm0, $0xFFFFFF82, v2;
	v6 =	vmul.f32 v6, v5  }
0x92: {  	v4 =	vadd.s32 v4, v57  }
0x93: {  	v4 =	vcvt.s32.f32 v4;
	v6 =	vadd.f32 v6, v5;
	_ =	sdelay $0x1  }
0x94: {  	v58 =	vmul.f32 $-2.121944420e-04, v4;
	v5 =	vadd.f32 v6, v5;
	_ =	sdelay $0x1  }
0x95: {  	v4 =	vmul.f32 $6.933593750e-01, v4;
	v5 =	vadd.f32 v58, v5;
	_ =	sdelay $0x1  }
0x96: {  	v4 =	vadd.f32 v5, v4;
	_ =	sdelay $0x1  }
0x97: {  	v4 =	vsub.f32 $0.0e+00, v4;
	_ =	sdelay $0x1  }
0x98: {  	v5 =	vand.u32 $0x7FFFFF, v4  }
0x99: {  	v5 =	vor.u32 $0x3F800000, v5  }
0x9a: {  	v59 =	vmul.f32 $5.000000000e-01, v5  }
0x9b: {  	v60 =	vld [tilespmem:$0x80];
	vm15 =	vge.f32 v5, $1.500000000e+00  }
0x9c: {  	v5 =	vsel vm15, v59, v5  }
0x9d: {  	v6 =	vadd.f32 $1.000000000e+00, v5;
	_ =	sdelay $0x1  }
0x9e: {  	(erf) = vrcp.f32 v6  }
0x9f: {  	(v2sf) =	vpush v60, $0x0;
	_ =	sdelay $0x2  }
0xa0: {  	(v2sf) =	vpush v60, $0x1;
	_ =	sdelay $0x2  }
0xa1: {  	(v2sf) =	vpush v60, $0x2  }
0xa2: {  	v5 =	vadd.f32 $-1.000000000e+00, v5  }
0xa3: {  	v6 =	vpop (erf)  }
0xa4: {  	(v2sf) =	vpush v60, $0x3;
	v5 =	vmul.f32 v6, v5;
	_ =	sdelay $0x1  }
0xa5: {  	v6 =	vmul.f32 v5, v5  }
0xa6: {  	(v2sf) =	vpush v60, $0x4  }
0xa7: {  	v61 =	vmul.f32 $6.666667010e-02, v6;
	_ =	sdelay $0x1  }
0xa8: {  	(v2sf) =	vpush v60, $0x5;
	s7 =	spop (v2sf);
	v8 =	vadd.f32 $7.692307980e-02, v61  }
0xa9: {  	p3 =	sgt.f32 s7, $-Inf  }
0xaa: {  	s13 =	smov.u32 s7;
	v8 =	vmul.f32 v8, v6  }
0xab: {  	s12 =	spop (v2sf);
	s13 =	simm.s32 @!p3 $0xFF800000  }
0xac: {  	p0 =	sgt.f32 s12, s13;
	v8 =	vadd.f32 $9.090909360e-02, v8;
	_ =	sdelay $0x1  }
0xad: {  	s11 =	spop (v2sf);
	s13 =	smov.u32 @p0 s12;
	v8 =	vmul.f32 v8, v6  }
0xae: {  	p1 =	sgt.f32 s11, s13  }
0xaf: {  	v8 =	vadd.f32 $1.111111120e-01, v8  }
0xb0: {  	s10 =	spop (v2sf);
	s13 =	smov.u32 @p1 s11  }
0xb1: {  	s8 =	simm.s32 @!p3 $0x0;
	p2 =	sgt.f32 s10, s13;
	v8 =	vmul.f32 v8, v6  }
0xb2: {  	s8 =	simm.s32 @p3 $0x1  }
0xb3: {  	[smem:$0x7F9] =	sst s8;
	s8 =	spop (v2sf);
	s13 =	smov.u32 @p2 s10;
	v8 =	vadd.f32 $1.428571490e-01, v8  }
0xb4: {  	s14 =	simm.s32 $0x1;
	p4 =	sgt.f32 s8, s13  }
0xb5: {  	s14 =	simm.s32 @!p0 $0x0;
	v8 =	vmul.f32 v8, v6  }
0xb6: {  	s19 =	spop (v2sf);
	s14 =	simm.s32 @p1 $0x2;
	s13 =	smov.u32 @p4 s8  }
0xb7: {  	s14 =	simm.s32 @p2 $0x3;
	p5 =	sgt.f32 s19, s13;
	v8 =	vadd.f32 $2.000000030e-01, v8  }
0xb8: {  	s14 =	simm.s32 @p4 $0x4  }
0xb9: {  	s14 =	simm.s32 @p5 $0x5;
	v8 =	vmul.f32 v8, v6  }
0xba: {  	s15 =	smov.u32 s7;
	p0 =	sne.s32 s14, $0x0  }
0xbb: {  	s15 =	simm.s32 @!p0 $0xFF800000;
	v8 =	vadd.f32 $3.333333430e-01, v8  }
0xbc: {  	s15 =	simm.s32 @!p3 $0xFF800000  }
0xbd: {  	p6 =	sgt.f32 s12, s15;
	v6 =	vmul.f32 v8, v6  }
0xbe: {  	p1 =	sne.s32 s14, $0x1;
	s13 =	simm.s32 @!p0 $0x0  }
0xbf: {  	s13 =	simm.s32 @p0 $0x1;
	p0 =	por !p1, !p6;
	v6 =	vadd.f32 v6, v6  }
0xc0: {  	p4 =	por !p0, !p0  }
0xc1: {  	s15 =	smov.u32 @p4 s12;
	v4 =	vshra.s32 v4, $0x17;
	v62 =	vsel vm15, $0xFFFFFF82, v2;
	v6 =	vmul.f32 v6, v5  }
0xc2: {  	p2 =	sgt.f32 s11, s15;
	v4 =	vadd.s32 v4, v62  }
0xc3: {  	p6 =	sne.s32 s14, $0x2;
	v4 =	vcvt.s32.f32 v4;
	v6 =	vadd.f32 v6, v5  }
0xc4: {  	p0 =	por !p6, !p2  }
0xc5: {  	p2 =	por !p0, !p0;
	v63 =	vmul.f32 $-2.121944420e-04, v4;
	v5 =	vadd.f32 v6, v5  }
0xc6: {  	s15 =	smov.u32 @p2 s11  }
0xc7: {  	[smem:$0x7F8] =	sst s13;
	s13 =	simm.s32 @!p1 $0x0;
	p3 =	sgt.f32 s10, s15;
	v4 =	vmul.f32 $6.933593750e-01, v4;
	v5 =	vadd.f32 v5, v63  }
0xc8: {  	s13 =	simm.s32 @p1 $0x1;
	p1 =	sne.s32 s14, $0x3  }
0xc9: {  	p0 =	por !p1, !p3;
	v4 =	vadd.f32 v5, v4  }
0xca: {  	p3 =	por !p0, !p0  }
0xcb: {  	[smem:$0x7FA] =	sst s13;
	s13 =	simm.s32 @!p1 $0x0;
	s15 =	smov.u32 @p3 s10;
	v4 =	vsub.f32 $0.0e+00, v4  }
0xcc: {  	s13 =	simm.s32 @p1 $0x1;
	p1 =	sgt.f32 s8, s15  }
0xcd: {  	p0 =	sne.s32 s14, $0x4;
	v4 =	vadd.f32 v4, v60  }
0xce: {  	[smem:$0x7FB] =	sst s13;
	s13 =	simm.s32 @!p0 $0x0;
	p1 =	por !p0, !p1  }
0xcf: {  	s13 =	simm.s32 @p0 $0x1;
	p1 =	por !p1, !p1;
	(v2sf) =	vpush v4, $0x0  }
0xd0: {  	[smem:$0x7FC] =	sst s13;
	s13 =	simm.s32 $0x1;
	s15 =	smov.u32 @p1 s8  }
0xd1: {  	s13 =	simm.s32 @!p4 $0x0;
	p4 =	sgt.f32 s19, s15  }
0xd2: {  	s13 =	simm.s32 @p2 $0x2;
	p2 =	por !p5, !p5;
	(v2sf) =	vpush v4, $0x1  }
0xd3: {  	s21 =	sld [smem:$0x7F9];
	s13 =	simm.s32 @p3 $0x3;
	p0 =	por !p2, !p4  }
0xd4: {  	s20 =	sld [smem:$0x7F8];
	s13 =	simm.s32 @p1 $0x4;
	p5 =	por !p0, !p0  }
0xd5: {  	s22 =	sld [smem:$0x7FA];
	s13 =	simm.s32 @p5 $0x5;
	(v2sf) =	vpush v4, $0x2  }
0xd6: {  	p0 =	sne.s32 s13, $0x0  }
0xd7: {  	s14 =	simm.s32 @!p2 $0x0;
	s7 =	simm.s32 @!p0 $0xFF800000;
	p0 =	seq.s32 s20, $0x1;
	(v2sf) =	vpush v4, $0x3  }
0xd8: {  	p3 =	seq.s32 s22, $0x1;
	s7 =	simm.s32 @!p0 $0xFF800000;
	p0 =	seq.s32 s21, $0x1  }
0xd9: {  	s14 =	simm.s32 @p2 $0x1;
	p2 =	sne.s32 s13, $0x1;
	s7 =	simm.s32 @!p0 $0xFF800000  }
0xda: {  	p0 =	por !p2, !p3;
	p4 =	sgt.f32 s12, s7;
	(v2sf) =	vpush v4, $0x4  }
0xdb: {  	p0 =	por !p0, !p0  }
0xdc: {  	s23 =	sld [smem:$0x7FB];
	p0 =	por !p0, !p4  }
0xdd: {  	s24 =	sld [smem:$0x7FC];
	p3 =	por !p0, !p0;
	(v2sf) =	vpush v4, $0x5  }
0xde: {  	p1 =	sne.s32 s13, $0x2;
	s7 =	smov.u32 @p3 s12;
	s12 =	spop (v2sf)  }
0xdf: {  	p0 =	por !p1, !p6;
	p2 =	sgt.f32 s11, s7;
	p1 =	sgt.f32 s12, $-Inf  }
0xe0: {  	[smem:$0x7FD] =	sst s14;
	p0 =	por !p0, !p0  }
0xe1: {  	p6 =	por !p0, !p2;
	s14 =	spop (v2sf);
	s12 =	simm.s32 @!p1 $0xFF800000  }
0xe2: {  	s28 =	sld [smem:$0x7FD];
	p1 =	por !p6, !p6;
	p2 =	sgt.f32 s14, s12  }
0xe3: {  	p0 =	sne.s32 s13, $0x3;
	p6 =	seq.s32 s23, $0x1;
	s7 =	smov.u32 @p1 s11  }
0xe4: {  	p6 =	por !p0, !p6;
	s11 =	spop (v2sf);
	s12 =	smov.u32 @p2 s14  }
0xe5: {  	p0 =	sgt.f32 s10, s7;
	s14 =	simm.s32 $0x1;
	p4 =	sgt.f32 s11, s12  }
0xe6: {  	p6 =	por !p6, !p6;
	s15 =	spop (v2sf);
	s14 =	simm.s32 @!p3 $0x0  }
0xe7: {  	p0 =	por !p6, !p0;
	p6 =	seq.s32 s24, $0x1;
	s12 =	smov.u32 @p4 s11  }
0xe8: {  	s14 =	simm.s32 @p1 $0x2;
	p0 =	por !p0, !p0;
	p3 =	sgt.f32 s15, s12  }
0xe9: {  	s7 =	smov.u32 @p0 s10;
	s10 =	spop (v2sf);
	s14 =	simm.s32 @p0 $0x3  }
0xea: {  	s11 =	simm.s32 $0x1;
	p0 =	sne.s32 s13, $0x4;
	s12 =	smov.u32 @p3 s15  }
0xeb: {  	p0 =	por !p0, !p6;
	p6 =	sgt.f32 s8, s7;
	p1 =	sgt.f32 s10, s12  }
0xec: {  	s11 =	simm.s32 @!p2 $0x0;
	s25 =	spop (v2sf);
	p0 =	por !p0, !p0  }
0xed: {  	s11 =	simm.s32 @p4 $0x2;
	p0 =	por !p0, !p6;
	s12 =	smov.u32 @p1 s10  }
0xee: {  	s11 =	simm.s32 @p3 $0x3;
	p0 =	por !p0, !p0;
	p2 =	sgt.f32 s25, s12  }
0xef: {  	s7 =	smov.u32 @p0 s8;
	s11 =	simm.s32 @p1 $0x4  }
0xf0: {  	s14 =	simm.s32 @p0 $0x4;
	p1 =	sgt.f32 s19, s7;
	s11 =	simm.s32 @p2 $0x5  }
0xf1: {  	p0 =	por !p5, !p5;
	s7 =	smov.u32 s14;
	p2 =	seq.s32 s28, $0x1;
	v4 =	vmov s11  }
0xf2: {  	s26 =	rddreg [dreg:$0xa];
	s7 =	simm.s32 @p1 $0x5;
	p0 =	por @!p2 p5, p5;
	[tilespmem:$0x100] =	vst v4  }
0xf3: {  	[hbm4b:s26+s3] =	stream.linear.scatter [tilespmem:s5], [sflag:$0x1], $0x8, $0x38;
	[tilespmem:$0x200] =	vst v63  }
0xf4: {  	p1 =	seq.s32 s13, s11;
	s14 =	smov.u32 @p0 s7;
	_ =	swait.ge [sflag:s2], $0x8  }
0xf5: {  	s13 =	smov.u32 @p1 s14;
	[sflag:s2] =	ssyncset.done $0x0  }
0xf6: {  	v4 =	vmov s13;
	[sflag:s2] =	ssyncadd.s32 $0xFFFFFFF8  }
0xf7: {  	s29 =	rddreg [dreg:$0xb];
	[tilespmem:$0x100] =	vst v4  }
0xf8: {  	[hbm4b:s29+s3] =	stream.linear.scatter [tilespmem:s5], [sflag:$0x1], $0x8, $0x38;
	[tilespmem:$0x200] =	vst v63  }
0xf9: {  	_ =	swait.ge [sflag:s2], $0x8  }
0xfa: {  	[sflag:s2] =	ssyncset.done $0x0  }
0xfb: {  	[sflag:s2] =	ssyncadd.s32 $0xFFFFFFF8  }
0xfc: {  	s30 =	rddreg [dreg:$0xc];
	[tilespmem:$0x180] =	vst v1  }
0xfd: {  	[hbm4b:s30+s3] =	stream.linear.scatter [tilespmem:s4], [sflag:$0x1], $0x8, $0x38;
	[tilespmem:$0x200] =	vst v63  }
0xfe: {  	p0 =	sne.s32 s6, $0x1;
	_ =	swait.ge [sflag:s2], $0x8  }
.Ltmp2:
0xff: {  	[sflag:s2] =	ssyncset.done $0x0;
	(pc) =	sbr.rel @!p0 .LBB2_3-.Ltmp2, $4  }
0x100: {  	[sflag:s2] =	ssyncadd.s32 $0xFFFFFFF8  }
0x101: {  	s31 =	rddreg [dreg:$0xd];
	[tilespmem:$0x180] =	vst v0  }
0x102: {  	[hbm4b:s31+s3] =	stream.linear.scatter [tilespmem:s4], [sflag:$0x1], $0x8, $0x38;
	[tilespmem:$0x200] =	vst v63  }
0x103: {  	s6 =	sadd.s32 $0xFFFFFFFF, s6;
	_ =	swait.ge [sflag:s2], $0x8  }
.LBB2_4:
0x104: {  	p0 =	sne.s32 s6, $0x1  }
0x105: {  	[sflag:s2] =	ssyncset.done $0x0;
	s7 =	simm.s32 @!p0 $0x0  }
0x106: {  	s26 =	rddreg [dreg:$0x7];
	[sflag:s2] =	ssyncadd.s32 $0xFFFFFFF8;
	s7 =	simm.s32 @p0 $0x1  }
0x107: {  	[tilespmem:s3], [sflag:$0x1] =	stream.linear.gather [hbm4b:s26+s3], $0x1, $0x38;
	[tilespmem:$0x200] =	vst v63  }
0x108: {  	[smem:$0x7F7] =	sst s7  }
0x109: {  	_ =	swait.ge [sflag:s2], $0x1  }
0x10a: {  	s28 =	rddreg [dreg:$0x8];
	[sflag:s2] =	ssyncset.done $0x0  }
0x10b: {  	s8 =	rddreg [dreg:$0x9];
	[sflag:s2] =	ssyncadd.s32 $0xFFFFFFFF  }
0x10c: {  	[tilespmem:s28], [sflag:$0x1] =	stream.linear.gather [hbm4b:s8+s3], $0x6, $0x38;
	[tilespmem:$0x200] =	vst v63  }
0x10d: {  	_ =	swait.ge [sflag:s2], $0x6  }
0x10e: {  	[sflag:s2] =	ssyncset.done $0x0  }
0x10f: {  	[sflag:s2] =	ssyncadd.s32 $0xFFFFFFFA  }
0x110: {  	v4 =	vld [tilespmem:$0x0];
	_ =	sdelay $0x4  }
0x111: {  	(v2sf) =	vpush v4, $0x0;
	_ =	sdelay $0xe  }
0x112: {  	s29 =	spop (v2sf)  }
0x113: {  	s30 =	smulhi.u32 $0x51EB851F, s29;
	s9 =	sshra.s32 s29, $0x1F  }
0x114: {  	s9 =	smul.u32 $0x51EB851F, s9;
	_ =	sdelay $0x1  }
0x115: {  	s8 =	sadd.s32 s9, s30  }
0x116: {  	s9 =	sshrl.u32 s8, $0x1F;
	s8 =	sshra.s32 s8, $0x4  }
0x117: {  	s8 =	sadd.s32 s9, s8  }
0x118: {  	s8 =	smul.u32 $0x32, s8;
	_ =	sdelay $0x1  }
0x119: {  	s7 =	ssub.s32 s29, s8  }
0x11a: {  	p0 =	slt.s32 s7, $0x0;
	s8 =	sadd.s32 $0x32, s7  }
0x11b: {  	s7 =	smov.u32 @p0 s8  }
0x11c: {  	v5 =	vadd.s32 s7, v3  }
0x11d: {  	v6 =	vshrl.u32 v5, $0x13;
	v7 =	vshll.u32 v5, $0xD  }
0x11e: {  	v6 =	vor.u32 v6, v7  }
0x11f: {  	v6 =	vxor.u32 v5, v6  }
0x120: {  	v5 =	vadd.s32 v5, v6;
	v31 =	vshrl.u32 v6, $0x11;
	v6 =	vshll.u32 v6, $0xF  }
0x121: {  	v6 =	vor.u32 v31, v6  }
0x122: {  	v6 =	vxor.u32 v5, v6  }
0x123: {  	v5 =	vadd.s32 v5, v6;
	v32 =	vshrl.u32 v6, $0x6;
	v6 =	vshll.u32 v6, $0x1A  }
0x124: {  	v6 =	vor.u32 v32, v6  }
0x125: {  	v6 =	vxor.u32 v5, v6  }
0x126: {  	v5 =	vadd.s32 v5, v6;
	v33 =	vshrl.u32 v6, $0x1A;
	v6 =	vshll.u32 v6, $0x6  }
0x127: {  	v4 =	vmov s7;
	v6 =	vor.u32 v33, v6  }
0x128: {  	v4 =	vxor.u32 $0x1BD11BDA, v4;
	v34 =	vadd.s32 s7, v5;
	v5 =	vxor.u32 v5, v6  }
0x129: {  	v5 =	vadd.s32 v5, v4  }
0x12a: {  	v5 =	vadd.s32 $0x1, v5  }
0x12b: {  	v35 =	vadd.s32 v5, v34;
	v36 =	vshrl.u32 v5, $0xF;
	v5 =	vshll.u32 v5, $0x11  }
0x12c: {  	v5 =	vor.u32 v36, v5  }
0x12d: {  	v5 =	vxor.u32 v35, v5  }
0x12e: {  	v6 =	vadd.s32 v35, v5;
	v37 =	vshrl.u32 v5, $0x3;
	v5 =	vshll.u32 v5, $0x1D  }
0x12f: {  	v5 =	vor.u32 v37, v5  }
0x130: {  	v5 =	vxor.u32 v6, v5  }
0x131: {  	v6 =	vadd.s32 v6, v5;
	v38 =	vshrl.u32 v5, $0x10;
	v5 =	vshll.u32 v5, $0x10  }
0x132: {  	v5 =	vor.u32 v38, v5  }
0x133: {  	v5 =	vxor.u32 v6, v5  }
0x134: {  	v6 =	vadd.s32 v6, v5;
	v39 =	vshrl.u32 v5, $0x8;
	v5 =	vshll.u32 v5, $0x18  }
0x135: {  	v5 =	vor.u32 v39, v5  }
0x136: {  	v5 =	vxor.u32 v6, v5  }
0x137: {  	v6 =	vadd.s32 v4, v6;
	v5 =	vadd.s32 $0x2, v5  }
0x138: {  	v6 =	vadd.s32 v5, v6;
	v40 =	vshrl.u32 v5, $0x13;
	v5 =	vshll.u32 v5, $0xD  }
0x139: {  	v5 =	vor.u32 v40, v5  }
0x13a: {  	v5 =	vxor.u32 v6, v5  }
0x13b: {  	v6 =	vadd.s32 v6, v5;
	v41 =	vshrl.u32 v5, $0x11;
	v5 =	vshll.u32 v5, $0xF  }
0x13c: {  	v5 =	vor.u32 v41, v5  }
0x13d: {  	v5 =	vxor.u32 v6, v5  }
0x13e: {  	v6 =	vadd.s32 v6, v5;
	v42 =	vshrl.u32 v5, $0x6;
	v5 =	vshll.u32 v5, $0x1A  }
0x13f: {  	v5 =	vor.u32 v42, v5  }
0x140: {  	v5 =	vxor.u32 v6, v5  }
0x141: {  	v6 =	vadd.s32 v6, v5;
	v43 =	vshrl.u32 v5, $0x1A;
	v5 =	vshll.u32 v5, $0x6  }
0x142: {  	v5 =	vor.u32 v43, v5  }
0x143: {  	v5 =	vxor.u32 v6, v5  }
0x144: {  	v5 =	vadd.s32 s7, v5  }
0x145: {  	v5 =	vadd.s32 $0x3, v5  }
0x146: {  	v6 =	vadd.s32 v6, v5;
	v44 =	vshrl.u32 v5, $0xF;
	v5 =	vshll.u32 v5, $0x11  }
0x147: {  	v5 =	vor.u32 v44, v5  }
0x148: {  	v5 =	vxor.u32 v6, v5  }
0x149: {  	v6 =	vadd.s32 v6, v5;
	v45 =	vshrl.u32 v5, $0x3;
	v5 =	vshll.u32 v5, $0x1D  }
0x14a: {  	v5 =	vor.u32 v45, v5  }
0x14b: {  	v5 =	vxor.u32 v6, v5  }
0x14c: {  	v6 =	vadd.s32 v6, v5;
	v46 =	vshrl.u32 v5, $0x10;
	v5 =	vshll.u32 v5, $0x10  }
0x14d: {  	v5 =	vor.u32 v46, v5  }
0x14e: {  	v5 =	vxor.u32 v6, v5  }
0x14f: {  	v6 =	vadd.s32 v6, v5;
	v47 =	vshrl.u32 v5, $0x8;
	v5 =	vshll.u32 v5, $0x18  }
0x150: {  	v5 =	vor.u32 v47, v5  }
0x151: {  	v5 =	vxor.u32 v6, v5  }
0x152: {  	v5 =	vadd.s32 v5, v4  }
0x153: {  	v48 =	vadd.s32 s7, v6;
	v5 =	vadd.s32 $0x4, v5  }
0x154: {  	v49 =	vadd.s32 v5, v48;
	v50 =	vshrl.u32 v5, $0x13;
	v5 =	vshll.u32 v5, $0xD  }
0x155: {  	v5 =	vor.u32 v50, v5  }
0x156: {  	v5 =	vxor.u32 v49, v5  }
0x157: {  	v6 =	vadd.s32 v49, v5;
	v51 =	vshrl.u32 v5, $0x11;
	v5 =	vshll.u32 v5, $0xF  }
0x158: {  	v5 =	vor.u32 v51, v5  }
0x159: {  	v5 =	vxor.u32 v6, v5  }
0x15a: {  	v6 =	vadd.s32 v6, v5;
	v52 =	vshrl.u32 v5, $0x6;
	v5 =	vshll.u32 v5, $0x1A  }
0x15b: {  	v5 =	vor.u32 v52, v5  }
0x15c: {  	v5 =	vxor.u32 v6, v5  }
0x15d: {  	v6 =	vadd.s32 v6, v5;
	v53 =	vshrl.u32 v5, $0x1A;
	v5 =	vshll.u32 v5, $0x6  }
0x15e: {  	v5 =	vor.u32 v53, v5  }
0x15f: {  	v5 =	vxor.u32 v6, v5  }
0x160: {  	v4 =	vadd.s32 v4, v6;
	v5 =	vadd.s32 $0x5, v5  }
0x161: {  	v4 =	vxor.u32 v4, v5  }
0x162: {  	v4 =	vshrl.u32 v4, $0x9  }
0x163: {  	v4 =	vor.u32 $0x3F800000, v4  }
0x164: {  	v4 =	vadd.f32 $-1.000000000e+00, v4;
	_ =	sdelay $0x1  }
0x165: {  	v4 =	vadd.f32 $1.000000010e-10, v4;
	_ =	sdelay $0x1  }
0x166: {  	v4 =	vmax.f32 v4, $1.000000010e-10  }
0x167: {  	v5 =	vand.u32 $0x7FFFFF, v4  }
0x168: {  	v5 =	vor.u32 $0x3F800000, v5  }
0x169: {  	v54 =	vmul.f32 $5.000000000e-01, v5  }
0x16a: {  	vm0 =	vge.f32 v5, $1.500000000e+00  }
0x16b: {  	v5 =	vsel vm0, v54, v5  }
0x16c: {  	v6 =	vadd.f32 $1.000000000e+00, v5;
	_ =	sdelay $0x1  }
0x16d: {  	(erf) = vrcp.f32 v6;
	_ =	sdelay $0x7  }
0x16e: {  	v5 =	vadd.f32 $-1.000000000e+00, v5  }
0x16f: {  	v6 =	vpop (erf)  }
0x170: {  	v5 =	vmul.f32 v6, v5;
	_ =	sdelay $0x1  }
0x171: {  	v6 =	vmul.f32 v5, v5;
	_ =	sdelay $0x1  }
0x172: {  	v56 =	vmul.f32 $6.666667010e-02, v6;
	_ =	sdelay $0x1  }
0x173: {  	v7 =	vadd.f32 $7.692307980e-02, v56;
	_ =	sdelay $0x1  }
0x174: {  	v7 =	vmul.f32 v7, v6;
	_ =	sdelay $0x1  }
0x175: {  	v7 =	vadd.f32 $9.090909360e-02, v7;
	_ =	sdelay $0x1  }
0x176: {  	v7 =	vmul.f32 v7, v6;
	_ =	sdelay $0x1  }
0x177: {  	v7 =	vadd.f32 $1.111111120e-01, v7;
	_ =	sdelay $0x1  }
0x178: {  	v7 =	vmul.f32 v7, v6;
	_ =	sdelay $0x1  }
0x179: {  	v7 =	vadd.f32 $1.428571490e-01, v7;
	_ =	sdelay $0x1  }
0x17a: {  	v7 =	vmul.f32 v7, v6;
	_ =	sdelay $0x1  }
0x17b: {  	v7 =	vadd.f32 $2.000000030e-01, v7;
	_ =	sdelay $0x1  }
0x17c: {  	v7 =	vmul.f32 v7, v6;
	_ =	sdelay $0x1  }
0x17d: {  	v7 =	vadd.f32 $3.333333430e-01, v7;
	_ =	sdelay $0x1  }
0x17e: {  	v6 =	vmul.f32 v7, v6;
	_ =	sdelay $0x1  }
0x17f: {  	v6 =	vadd.f32 v6, v6;
	_ =	sdelay $0x1  }
0x180: {  	v4 =	vshra.s32 v4, $0x17;
	v55 =	vsel vm0, $0xFFFFFF82, v2;
	v6 =	vmul.f32 v6, v5  }
0x181: {  	v4 =	vadd.s32 v4, v55  }
0x182: {  	v4 =	vcvt.s32.f32 v4;
	v6 =	vadd.f32 v6, v5;
	_ =	sdelay $0x1  }
0x183: {  	v57 =	vmul.f32 $-2.121944420e-04, v4;
	v5 =	vadd.f32 v6, v5;
	_ =	sdelay $0x1  }
0x184: {  	v4 =	vmul.f32 $6.933593750e-01, v4;
	v5 =	vadd.f32 v57, v5;
	_ =	sdelay $0x1  }
0x185: {  	v4 =	vadd.f32 v5, v4;
	_ =	sdelay $0x1  }
0x186: {  	v4 =	vsub.f32 $0.0e+00, v4;
	_ =	sdelay $0x1  }
0x187: {  	v5 =	vand.u32 $0x7FFFFF, v4;
	v59 =	vshra.s32 v4, $0x17;
	v4 =	vld [tilespmem:$0x80];
	_ =	sdelay $0x4  }
0x188: {  	v5 =	vor.u32 $0x3F800000, v5;
	(v2sf) =	vpush v4, $0x0  }
0x189: {  	v58 =	vmul.f32 $5.000000000e-01, v5  }
0x18a: {  	vm15 =	vge.f32 v5, $1.500000000e+00  }
0x18b: {  	v5 =	vsel vm15, v58, v5;
	(v2sf) =	vpush v4, $0x1  }
0x18c: {  	v61 =	vadd.f32 $1.000000000e+00, v5;
	_ =	sdelay $0x1  }
0x18d: {  	(erf) = vrcp.f32 v61;
	(v2sf) =	vpush v4, $0x2;
	_ =	sdelay $0x2  }
0x18e: {  	(v2sf) =	vpush v4, $0x3;
	_ =	sdelay $0x2  }
0x18f: {  	(v2sf) =	vpush v4, $0x4;
	_ =	sdelay $0x1  }
0x190: {  	v5 =	vadd.f32 $-1.000000000e+00, v5  }
0x191: {  	(v2sf) =	vpush v4, $0x5;
	v7 =	vpop (erf);
	s7 =	spop (v2sf)  }
0x192: {  	v5 =	vmul.f32 v7, v5;
	p4 =	sgt.f32 s7, $-Inf  }
0x193: {  	s14 =	smov.u32 s7  }
0x194: {  	v7 =	vmul.f32 v5, v5;
	s12 =	spop (v2sf);
	s14 =	simm.s32 @!p4 $0xFF800000  }
0x195: {  	p0 =	sgt.f32 s12, s14  }
0x196: {  	v62 =	vmul.f32 $6.666667010e-02, v7  }
0x197: {  	v8 =	vsel vm15, $0xFFFFFF82, v2;
	s11 =	spop (v2sf);
	s14 =	smov.u32 @p0 s12  }
0x198: {  	v60 =	vadd.s32 v59, v8;
	v8 =	vadd.f32 $7.692307980e-02, v62;
	p1 =	sgt.f32 s11, s14;
	_ =	sdelay $0x1  }
0x199: {  	s10 =	spop (v2sf);
	v8 =	vmul.f32 v8, v7;
	s14 =	smov.u32 @p1 s11  }
0x19a: {  	s8 =	simm.s32 @!p4 $0x0;
	p2 =	sgt.f32 s10, s14  }
0x19b: {  	s8 =	simm.s32 @p4 $0x1;
	v8 =	vadd.f32 $9.090909360e-02, v8  }
0x19c: {  	[smem:$0x7F1] =	sst s8;
	s8 =	spop (v2sf);
	s14 =	smov.u32 @p2 s10  }
0x19d: {  	s13 =	simm.s32 $0x1;
	v8 =	vmul.f32 v8, v7;
	p3 =	sgt.f32 s8, s14  }
0x19e: {  	s13 =	simm.s32 @!p0 $0x0  }
0x19f: {  	s31 =	spop (v2sf);
	s13 =	simm.s32 @p1 $0x2;
	v8 =	vadd.f32 $1.111111120e-01, v8;
	s14 =	smov.u32 @p3 s8  }
0x1a0: {  	s13 =	simm.s32 @p2 $0x3;
	p5 =	sgt.f32 s31, s14  }
0x1a1: {  	v8 =	vmul.f32 v8, v7;
	s13 =	simm.s32 @p3 $0x4  }
0x1a2: {  	s13 =	simm.s32 @p5 $0x5  }
0x1a3: {  	v8 =	vadd.f32 $1.428571490e-01, v8;
	p0 =	sne.s32 s13, $0x0  }
0x1a4: {  	s14 =	simm.s32 @!p0 $0x0  }
0x1a5: {  	v8 =	vmul.f32 v8, v7;
	s14 =	simm.s32 @p0 $0x1  }
0x1a6: {  	[smem:$0x7F0] =	sst s14;
	s14 =	smov.u32 s7  }
0x1a7: {  	v8 =	vadd.f32 $2.000000030e-01, v8;
	s14 =	simm.s32 @!p0 $0xFF800000  }
0x1a8: {  	s14 =	simm.s32 @!p4 $0xFF800000  }
0x1a9: {  	v8 =	vmul.f32 v8, v7;
	p6 =	sgt.f32 s12, s14  }
0x1aa: {  	p1 =	sne.s32 s13, $0x1  }
0x1ab: {  	v8 =	vadd.f32 $3.333333430e-01, v8;
	p0 =	por !p1, !p6  }
0x1ac: {  	p4 =	por !p0, !p0  }
0x1ad: {  	s15 =	simm.s32 @!p1 $0x0;
	v7 =	vmul.f32 v8, v7;
	s14 =	smov.u32 @p4 s12  }
0x1ae: {  	s15 =	simm.s32 @p1 $0x1;
	p1 =	sgt.f32 s11, s14  }
0x1af: {  	v7 =	vadd.f32 v7, v7;
	p6 =	sne.s32 s13, $0x2  }
0x1b0: {  	p0 =	por !p6, !p1  }
0x1b1: {  	v7 =	vmul.f32 v7, v5;
	p3 =	por !p0, !p0  }
0x1b2: {  	s14 =	smov.u32 @p3 s11  }
0x1b3: {  	v6 =	vcvt.s32.f32 v60;
	v7 =	vadd.f32 v7, v5;
	p2 =	sgt.f32 s10, s14  }
0x1b4: {  	p1 =	sne.s32 s13, $0x3  }
0x1b5: {  	v63 =	vmul.f32 $-2.121944420e-04, v6;
	v5 =	vadd.f32 v7, v5;
	p0 =	por !p1, !p2  }
0x1b6: {  	p2 =	por !p0, !p0  }
0x1b7: {  	v6 =	vmul.f32 $6.933593750e-01, v6;
	v5 =	vadd.f32 v5, v63;
	s14 =	smov.u32 @p2 s10  }
0x1b8: {  	[smem:$0x7EF] =	sst s15;
	s15 =	simm.s32 @!p1 $0x0;
	p0 =	sgt.f32 s8, s14  }
0x1b9: {  	s15 =	simm.s32 @p1 $0x1;
	v5 =	vadd.f32 v5, v6;
	p1 =	sne.s32 s13, $0x4  }
0x1ba: {  	s13 =	simm.s32 @!p1 $0x0;
	p0 =	por !p1, !p0  }
0x1bb: {  	s19 =	sld [smem:$0x7F1];
	v5 =	vsub.f32 $0.0e+00, v5;
	s13 =	simm.s32 @p1 $0x1;
	p0 =	por !p0, !p0  }
0x1bc: {  	[smem:$0x7F3] =	sst s13;
	s13 =	simm.s32 $0x1;
	s14 =	smov.u32 @p0 s8  }
0x1bd: {  	s17 =	sld [smem:$0x7EF];
	v4 =	vadd.f32 v5, v4;
	s13 =	simm.s32 @!p4 $0x0;
	p4 =	sgt.f32 s31, s14  }
0x1be: {  	p5 =	por !p5, !p5;
	s18 =	sld [smem:$0x7F0];
	s13 =	simm.s32 @p3 $0x2  }
0x1bf: {  	[smem:$0x7F2] =	sst s15;
	(v2sf) =	vpush v4, $0x0;
	s13 =	simm.s32 @p2 $0x3;
	p1 =	por !p5, !p4  }
0x1c0: {  	s20 =	sld [smem:$0x7F2];
	s13 =	simm.s32 @p0 $0x4;
	p1 =	por !p1, !p1  }
0x1c1: {  	s21 =	sld [smem:$0x7F3];
	s13 =	simm.s32 @p1 $0x5  }
0x1c2: {  	(v2sf) =	vpush v4, $0x1;
	p4 =	sne.s32 s13, $0x0;
	p2 =	sne.s32 s13, $0x1;
	p3 =	sne.s32 s13, $0x2  }
0x1c3: {  	s7 =	simm.s32 @!p4 $0xFF800000;
	p4 =	seq.s32 s17, $0x1;
	p3 =	por !p3, !p6  }
0x1c4: {  	p6 =	seq.s32 s18, $0x1;
	p2 =	por !p2, !p4;
	s14 =	simm.s32 @!p3 $0x0  }
0x1c5: {  	(v2sf) =	vpush v4, $0x2;
	s7 =	simm.s32 @!p6 $0xFF800000;
	p6 =	seq.s32 s19, $0x1;
	s14 =	simm.s32 @p3 $0x1  }
0x1c6: {  	p3 =	sne.s32 s13, $0x3;
	s7 =	simm.s32 @!p6 $0xFF800000;
	p6 =	seq.s32 s20, $0x1  }
0x1c7: {  	p4 =	sne.s32 s13, $0x4;
	p3 =	por !p3, !p6;
	p6 =	seq.s32 s21, $0x1  }
0x1c8: {  	(v2sf) =	vpush v4, $0x3;
	p4 =	por !p4, !p6  }
0x1c9: {  	p0 =	por !p1, !p1;
	[smem:$0x7F4] =	sst s14;
	s14 =	simm.s32 @!p4 $0x0  }
0x1ca: {  	p0 =	por @!p5 p1, p1;
	p1 =	sgt.f32 s12, s7;
	s14 =	simm.s32 @p4 $0x1  }
0x1cb: {  	(v2sf) =	vpush v4, $0x4;
	p4 =	por !p2, !p2;
	[smem:$0x7F5] =	sst s14;
	s14 =	simm.s32 @!p0 $0x0  }
0x1cc: {  	s22 =	sld [smem:$0x7F4];
	s14 =	simm.s32 @p0 $0x1;
	p0 =	por !p4, !p1  }
0x1cd: {  	p4 =	por !p0, !p0  }
0x1ce: {  	(v2sf) =	vpush v4, $0x5;
	s7 =	smov.u32 @p4 s12;
	s12 =	spop (v2sf)  }
0x1cf: {  	p6 =	seq.s32 s22, $0x1;
	p0 =	sgt.f32 s12, $-Inf  }
0x1d0: {  	p2 =	por !p6, !p6;
	p5 =	sgt.f32 s11, s7  }
0x1d1: {  	[smem:$0x7F6] =	sst s14;
	s14 =	spop (v2sf);
	s12 =	simm.s32 @!p0 $0xFF800000  }
0x1d2: {  	p5 =	por !p2, !p5;
	p1 =	sgt.f32 s14, s12  }
0x1d3: {  	p0 =	por !p5, !p5  }
0x1d4: {  	s7 =	smov.u32 @p0 s11;
	s11 =	spop (v2sf);
	s12 =	smov.u32 @p1 s14  }
0x1d5: {  	s15 =	simm.s32 $0x1;
	p5 =	sgt.f32 s11, s12  }
0x1d6: {  	p3 =	por !p3, !p3;
	s24 =	sld [smem:$0x7F5];
	p6 =	sgt.f32 s10, s7  }
0x1d7: {  	s15 =	simm.s32 @!p4 $0x0;
	s16 =	spop (v2sf);
	s12 =	smov.u32 @p5 s11  }
0x1d8: {  	s15 =	simm.s32 @p0 $0x2;
	p2 =	por !p3, !p6;
	p0 =	sgt.f32 s16, s12  }
0x1d9: {  	p6 =	seq.s32 s24, $0x1;
	p2 =	por !p2, !p2;
	s11 =	simm.s32 $0x1  }
0x1da: {  	s7 =	smov.u32 @p2 s10;
	s10 =	spop (v2sf);
	s12 =	smov.u32 @p0 s16  }
0x1db: {  	s11 =	simm.s32 @!p1 $0x0;
	p3 =	sgt.f32 s8, s7;
	p1 =	sgt.f32 s10, s12  }
0x1dc: {  	s15 =	simm.s32 @p2 $0x3;
	p2 =	por !p6, !p6;
	s11 =	simm.s32 @p5 $0x2  }
0x1dd: {  	s25 =	spop (v2sf);
	p2 =	por !p2, !p3;
	s12 =	smov.u32 @p1 s10  }
0x1de: {  	s11 =	simm.s32 @p0 $0x3;
	p2 =	por !p2, !p2;
	p0 =	sgt.f32 s25, s12  }
0x1df: {  	s26 =	sld [smem:$0x7F6];
	s7 =	smov.u32 @p2 s8;
	s11 =	simm.s32 @p1 $0x4  }
0x1e0: {  	s15 =	simm.s32 @p2 $0x4;
	p1 =	sgt.f32 s31, s7;
	s11 =	simm.s32 @p0 $0x5  }
0x1e1: {  	s7 =	smov.u32 s15;
	v4 =	vmov s11  }
0x1e2: {  	s23 =	rddreg [dreg:$0xa];
	s7 =	simm.s32 @p1 $0x5;
	p1 =	seq.s32 s26, $0x1;
	[tilespmem:$0x100] =	vst v4  }
0x1e3: {  	[hbm4b:s23+s3] =	stream.linear.scatter [tilespmem:s5], [sflag:$0x1], $0x8, $0x38;
	[tilespmem:$0x200] =	vst v63  }
0x1e4: {  	p0 =	seq.s32 s13, s11;
	s15 =	smov.u32 @p1 s7;
	_ =	swait.ge [sflag:s2], $0x8  }
0x1e5: {  	s13 =	smov.u32 @p0 s15;
	[sflag:s2] =	ssyncset.done $0x0  }
0x1e6: {  	v4 =	vmov s13;
	[sflag:s2] =	ssyncadd.s32 $0xFFFFFFF8  }
0x1e7: {  	s28 =	rddreg [dreg:$0xb];
	[tilespmem:$0x100] =	vst v4  }
0x1e8: {  	[hbm4b:s28+s3] =	stream.linear.scatter [tilespmem:s5], [sflag:$0x1], $0x8, $0x38;
	[tilespmem:$0x200] =	vst v63  }
0x1e9: {  	_ =	swait.ge [sflag:s2], $0x8  }
0x1ea: {  	[sflag:s2] =	ssyncset.done $0x0  }
0x1eb: {  	[sflag:s2] =	ssyncadd.s32 $0xFFFFFFF8  }
0x1ec: {  	s29 =	rddreg [dreg:$0xc];
	[tilespmem:$0x180] =	vst v1  }
0x1ed: {  	[hbm4b:s29+s3] =	stream.linear.scatter [tilespmem:s4], [sflag:$0x1], $0x8, $0x38;
	[tilespmem:$0x200] =	vst v63  }
0x1ee: {  	_ =	swait.ge [sflag:s2], $0x8  }
0x1ef: {  	[sflag:s2] =	ssyncset.done $0x0  }
0x1f0: {  	[sflag:s2] =	ssyncadd.s32 $0xFFFFFFF8  }
0x1f1: {  	s30 =	rddreg [dreg:$0xd];
	[tilespmem:$0x180] =	vst v0  }
0x1f2: {  	[hbm4b:s30+s3] =	stream.linear.scatter [tilespmem:s4], [sflag:$0x1], $0x8, $0x38;
	[tilespmem:$0x200] =	vst v63  }
0x1f3: {  	_ =	swait.ge [sflag:s2], $0x8  }
0x1f4: {  	s31 =	sld [smem:$0x7F7];
	_ =	sdelay $0x2  }
0x1f5: {  	p0 =	seq.s32 s31, $0x1  }
.Ltmp3:
0x1f6: {  	_ = 	snop;
	(pc) =	sbr.rel @p0 .LBB2_4-.Ltmp3, $2  }
0x1f7: {  	_ =	sdelay $0x2  }
0x1f8: {  	s6 =	sadd.s32 $0xFFFFFFFF, s6  }
0x1f9: {  	p1 =	por $0x1, $0x1  }
.LBB2_6:
0x1fa: {  	[sflag:s2] =	ssyncset.done @p1 $0x0  }
0x1fb: {  	s6 =	rddreg [dreg:$0x7];
	[sflag:s2] =	ssyncadd.s32 @p1 $0xFFFFFFF8  }
0x1fc: {  	[tilespmem:s3], [sflag:$0x1] =	stream.linear.gather [hbm4b:s6+s3], $0x1, $0x38;
	[tilespmem:$0x200] =	vst v63  }
0x1fd: {  	_ =	swait.ge [sflag:s2], $0x1  }
0x1fe: {  	s16 =	rddreg [dreg:$0x8];
	[sflag:s2] =	ssyncset.done $0x0  }
0x1ff: {  	s7 =	rddreg [dreg:$0x9];
	[sflag:s2] =	ssyncadd.s32 $0xFFFFFFFF  }
0x200: {  	[tilespmem:s16], [sflag:$0x1] =	stream.linear.gather [hbm4b:s7+s3], $0x6, $0x38;
	[tilespmem:$0x200] =	vst v63  }
0x201: {  	_ =	swait.ge [sflag:s2], $0x6  }
0x202: {  	[sflag:s2] =	ssyncset.done $0x0  }
0x203: {  	[sflag:s2] =	ssyncadd.s32 $0xFFFFFFFA  }
0x204: {  	v4 =	vld [tilespmem:$0x0];
	_ =	sdelay $0x4  }
0x205: {  	(v2sf) =	vpush v4, $0x0;
	_ =	sdelay $0xe  }
0x206: {  	s17 =	spop (v2sf)  }
0x207: {  	s18 =	smulhi.u32 $0x51EB851F, s17;
	s8 =	sshra.s32 s17, $0x1F  }
0x208: {  	s8 =	smul.u32 $0x51EB851F, s8;
	_ =	sdelay $0x1  }
0x209: {  	s7 =	sadd.s32 s8, s18  }
0x20a: {  	s8 =	sshrl.u32 s7, $0x1F;
	s7 =	sshra.s32 s7, $0x4  }
0x20b: {  	s7 =	sadd.s32 s8, s7  }
0x20c: {  	s7 =	smul.u32 $0x32, s7;
	_ =	sdelay $0x1  }
0x20d: {  	s6 =	ssub.s32 s17, s7  }
0x20e: {  	p0 =	slt.s32 s6, $0x0;
	s7 =	sadd.s32 $0x32, s6  }
0x20f: {  	s6 =	smov.u32 @p0 s7  }
0x210: {  	v3 =	vadd.s32 s6, v3  }
0x211: {  	v47 =	vshrl.u32 v3, $0x13;
	v5 =	vshll.u32 v3, $0xD  }
0x212: {  	v4 =	vor.u32 v47, v5  }
0x213: {  	v4 =	vxor.u32 v3, v4  }
0x214: {  	v48 =	vshrl.u32 v4, $0x11;
	v6 =	vshll.u32 v4, $0xF  }
0x215: {  	v3 =	vadd.s32 v3, v4;
	v49 =	vor.u32 v48, v6  }
0x216: {  	v4 =	vxor.u32 v3, v49  }
0x217: {  	v50 =	vshrl.u32 v4, $0x6;
	v51 =	vshll.u32 v4, $0x1A  }
0x218: {  	v3 =	vadd.s32 v3, v4;
	v52 =	vor.u32 v50, v51  }
0x219: {  	v4 =	vxor.u32 v3, v52  }
0x21a: {  	v53 =	vshrl.u32 v4, $0x1A;
	v54 =	vshll.u32 v4, $0x6  }
0x21b: {  	v7 =	vmov s6;
	v3 =	vadd.s32 v3, v4;
	v55 =	vor.u32 v53, v54  }
0x21c: {  	v56 =	vxor.u32 $0x1BD11BDA, v7;
	v4 =	vxor.u32 v3, v55  }
0x21d: {  	v4 =	vadd.s32 v4, v56  }
0x21e: {  	v4 =	vadd.s32 $0x1, v4  }
0x21f: {  	v3 =	vadd.s32 s6, v3;
	v57 =	vshrl.u32 v4, $0xF;
	v58 =	vshll.u32 v4, $0x11  }
0x220: {  	v3 =	vadd.s32 v4, v3;
	v59 =	vor.u32 v57, v58  }
0x221: {  	v4 =	vxor.u32 v3, v59  }
0x222: {  	v60 =	vshrl.u32 v4, $0x3;
	v61 =	vshll.u32 v4, $0x1D  }
0x223: {  	v3 =	vadd.s32 v3, v4;
	v62 =	vor.u32 v60, v61  }
0x224: {  	v4 =	vxor.u32 v3, v62  }
0x225: {  	v63 =	vshrl.u32 v4, $0x10;
	v9 =	vshll.u32 v4, $0x10  }
0x226: {  	v3 =	vadd.s32 v3, v4;
	v10 =	vor.u32 v63, v9  }
0x227: {  	v4 =	vxor.u32 v3, v10  }
0x228: {  	v11 =	vshrl.u32 v4, $0x8;
	v12 =	vshll.u32 v4, $0x18  }
0x229: {  	v3 =	vadd.s32 v3, v4;
	v13 =	vor.u32 v11, v12  }
0x22a: {  	v4 =	vxor.u32 v3, v13  }
0x22b: {  	v4 =	vadd.s32 $0x2, v4  }
0x22c: {  	v3 =	vadd.s32 v56, v3;
	v14 =	vshrl.u32 v4, $0x13;
	v15 =	vshll.u32 v4, $0xD  }
0x22d: {  	v3 =	vadd.s32 v4, v3;
	v16 =	vor.u32 v14, v15  }
0x22e: {  	v4 =	vxor.u32 v3, v16  }
0x22f: {  	v17 =	vshrl.u32 v4, $0x11;
	v18 =	vshll.u32 v4, $0xF  }
0x230: {  	v3 =	vadd.s32 v3, v4;
	v19 =	vor.u32 v17, v18  }
0x231: {  	v4 =	vxor.u32 v3, v19  }
0x232: {  	v20 =	vshrl.u32 v4, $0x6;
	v21 =	vshll.u32 v4, $0x1A  }
0x233: {  	v3 =	vadd.s32 v3, v4;
	v22 =	vor.u32 v20, v21  }
0x234: {  	v4 =	vxor.u32 v3, v22  }
0x235: {  	v23 =	vshrl.u32 v4, $0x1A;
	v24 =	vshll.u32 v4, $0x6  }
0x236: {  	v3 =	vadd.s32 v3, v4;
	v25 =	vor.u32 v23, v24  }
0x237: {  	v4 =	vxor.u32 v3, v25  }
0x238: {  	v4 =	vadd.s32 s6, v4  }
0x239: {  	v4 =	vadd.s32 $0x3, v4  }
0x23a: {  	v26 =	vshrl.u32 v4, $0xF;
	v27 =	vshll.u32 v4, $0x11  }
0x23b: {  	v3 =	vadd.s32 v3, v4;
	v28 =	vor.u32 v26, v27  }
0x23c: {  	v4 =	vxor.u32 v3, v28  }
0x23d: {  	v29 =	vshrl.u32 v4, $0x3;
	v30 =	vshll.u32 v4, $0x1D  }
0x23e: {  	v3 =	vadd.s32 v3, v4;
	v31 =	vor.u32 v29, v30  }
0x23f: {  	v4 =	vxor.u32 v3, v31  }
0x240: {  	v32 =	vshrl.u32 v4, $0x10;
	v33 =	vshll.u32 v4, $0x10  }
0x241: {  	v3 =	vadd.s32 v3, v4;
	v34 =	vor.u32 v32, v33  }
0x242: {  	v4 =	vxor.u32 v3, v34  }
0x243: {  	v35 =	vshrl.u32 v4, $0x8;
	v36 =	vshll.u32 v4, $0x18  }
0x244: {  	v3 =	vadd.s32 v3, v4;
	v37 =	vor.u32 v35, v36  }
0x245: {  	v4 =	vxor.u32 v3, v37  }
0x246: {  	v4 =	vadd.s32 v4, v56  }
0x247: {  	v4 =	vadd.s32 $0x4, v4  }
0x248: {  	v3 =	vadd.s32 s6, v3;
	v38 =	vshrl.u32 v4, $0x13;
	v39 =	vshll.u32 v4, $0xD  }
0x249: {  	v3 =	vadd.s32 v4, v3;
	v40 =	vor.u32 v38, v39  }
0x24a: {  	v4 =	vxor.u32 v3, v40  }
0x24b: {  	v41 =	vshrl.u32 v4, $0x11;
	v42 =	vshll.u32 v4, $0xF  }
0x24c: {  	v3 =	vadd.s32 v3, v4;
	v43 =	vor.u32 v41, v42  }
0x24d: {  	v4 =	vxor.u32 v3, v43  }
0x24e: {  	v44 =	vshrl.u32 v4, $0x6;
	v45 =	vshll.u32 v4, $0x1A  }
0x24f: {  	v3 =	vadd.s32 v3, v4;
	v46 =	vor.u32 v44, v45  }
0x250: {  	v4 =	vxor.u32 v3, v46  }
0x251: {  	v47 =	vshrl.u32 v4, $0x1A;
	v48 =	vshll.u32 v4, $0x6  }
0x252: {  	v3 =	vadd.s32 v3, v4;
	v49 =	vor.u32 v47, v48  }
0x253: {  	v4 =	vxor.u32 v3, v49  }
0x254: {  	v3 =	vadd.s32 v56, v3;
	v4 =	vadd.s32 $0x5, v4  }
0x255: {  	v3 =	vxor.u32 v3, v4  }
0x256: {  	v3 =	vshrl.u32 v3, $0x9  }
0x257: {  	v3 =	vor.u32 $0x3F800000, v3  }
0x258: {  	v3 =	vadd.f32 $-1.000000000e+00, v3;
	_ =	sdelay $0x1  }
0x259: {  	v3 =	vadd.f32 $1.000000010e-10, v3;
	_ =	sdelay $0x1  }
0x25a: {  	v3 =	vmax.f32 v3, $1.000000010e-10  }
0x25b: {  	v50 =	vand.u32 $0x7FFFFF, v3  }
0x25c: {  	v4 =	vor.u32 $0x3F800000, v50  }
0x25d: {  	v51 =	vmul.f32 $5.000000000e-01, v4  }
0x25e: {  	vm0 =	vge.f32 v4, $1.500000000e+00  }
0x25f: {  	v4 =	vsel vm0, v51, v4  }
0x260: {  	v5 =	vadd.f32 $1.000000000e+00, v4;
	_ =	sdelay $0x1  }
0x261: {  	(erf) = vrcp.f32 v5;
	_ =	sdelay $0x7  }
0x262: {  	v4 =	vadd.f32 $-1.000000000e+00, v4  }
0x263: {  	v5 =	vpop (erf)  }
0x264: {  	v4 =	vmul.f32 v5, v4;
	_ =	sdelay $0x1  }
0x265: {  	v5 =	vmul.f32 v4, v4;
	_ =	sdelay $0x1  }
0x266: {  	v52 =	vmul.f32 $6.666667010e-02, v5;
	_ =	sdelay $0x1  }
0x267: {  	v6 =	vadd.f32 $7.692307980e-02, v52;
	_ =	sdelay $0x1  }
0x268: {  	v6 =	vmul.f32 v6, v5;
	_ =	sdelay $0x1  }
0x269: {  	v6 =	vadd.f32 $9.090909360e-02, v6;
	_ =	sdelay $0x1  }
0x26a: {  	v6 =	vmul.f32 v6, v5;
	_ =	sdelay $0x1  }
0x26b: {  	v6 =	vadd.f32 $1.111111120e-01, v6;
	_ =	sdelay $0x1  }
0x26c: {  	v6 =	vmul.f32 v6, v5;
	_ =	sdelay $0x1  }
0x26d: {  	v6 =	vadd.f32 $1.428571490e-01, v6;
	_ =	sdelay $0x1  }
0x26e: {  	v6 =	vmul.f32 v6, v5;
	_ =	sdelay $0x1  }
0x26f: {  	v6 =	vadd.f32 $2.000000030e-01, v6;
	_ =	sdelay $0x1  }
0x270: {  	v6 =	vmul.f32 v6, v5;
	_ =	sdelay $0x1  }
0x271: {  	v6 =	vadd.f32 $3.333333430e-01, v6;
	_ =	sdelay $0x1  }
0x272: {  	v5 =	vmul.f32 v6, v5;
	_ =	sdelay $0x1  }
0x273: {  	v5 =	vadd.f32 v5, v5;
	_ =	sdelay $0x1  }
0x274: {  	v3 =	vshra.s32 v3, $0x17;
	v53 =	vsel vm0, $0xFFFFFF82, v2;
	v5 =	vmul.f32 v5, v4  }
0x275: {  	v3 =	vadd.s32 v3, v53  }
0x276: {  	v3 =	vcvt.s32.f32 v3;
	v5 =	vadd.f32 v5, v4;
	_ =	sdelay $0x1  }
0x277: {  	v54 =	vmul.f32 $-2.121944420e-04, v3;
	v4 =	vadd.f32 v5, v4;
	_ =	sdelay $0x1  }
0x278: {  	v3 =	vmul.f32 $6.933593750e-01, v3;
	v4 =	vadd.f32 v54, v4;
	_ =	sdelay $0x1  }
0x279: {  	v3 =	vadd.f32 v4, v3;
	_ =	sdelay $0x1  }
0x27a: {  	v3 =	vsub.f32 $0.0e+00, v3;
	_ =	sdelay $0x1  }
0x27b: {  	v55 =	vand.u32 $0x7FFFFF, v3  }
0x27c: {  	v4 =	vor.u32 $0x3F800000, v55  }
0x27d: {  	v56 =	vmul.f32 $5.000000000e-01, v4  }
0x27e: {  	v57 =	vld [tilespmem:$0x80];
	vm15 =	vge.f32 v4, $1.500000000e+00  }
0x27f: {  	v4 =	vsel vm15, v56, v4  }
0x280: {  	v5 =	vadd.f32 $1.000000000e+00, v4;
	_ =	sdelay $0x1  }
0x281: {  	(erf) = vrcp.f32 v5  }
0x282: {  	(v2sf) =	vpush v57, $0x0;
	_ =	sdelay $0x2  }
0x283: {  	(v2sf) =	vpush v57, $0x1;
	_ =	sdelay $0x2  }
0x284: {  	(v2sf) =	vpush v57, $0x2  }
0x285: {  	v4 =	vadd.f32 $-1.000000000e+00, v4  }
0x286: {  	v5 =	vpop (erf)  }
0x287: {  	(v2sf) =	vpush v57, $0x3;
	v4 =	vmul.f32 v5, v4;
	_ =	sdelay $0x1  }
0x288: {  	v5 =	vmul.f32 v4, v4  }
0x289: {  	(v2sf) =	vpush v57, $0x4  }
0x28a: {  	v58 =	vmul.f32 $6.666667010e-02, v5;
	_ =	sdelay $0x1  }
0x28b: {  	(v2sf) =	vpush v57, $0x5;
	s6 =	spop (v2sf);
	v7 =	vadd.f32 $7.692307980e-02, v58  }
0x28c: {  	p3 =	sgt.f32 s6, $-Inf  }
0x28d: {  	s12 =	smov.u32 s6;
	v7 =	vmul.f32 v7, v5  }
0x28e: {  	s11 =	spop (v2sf);
	s12 =	simm.s32 @!p3 $0xFF800000  }
0x28f: {  	p0 =	sgt.f32 s11, s12;
	v7 =	vadd.f32 $9.090909360e-02, v7;
	_ =	sdelay $0x1  }
0x290: {  	s10 =	spop (v2sf);
	s12 =	smov.u32 @p0 s11;
	v7 =	vmul.f32 v7, v5  }
0x291: {  	p1 =	sgt.f32 s10, s12  }
0x292: {  	v7 =	vadd.f32 $1.111111120e-01, v7  }
0x293: {  	s9 =	spop (v2sf);
	s12 =	smov.u32 @p1 s10  }
0x294: {  	s7 =	simm.s32 @!p3 $0x0;
	p2 =	sgt.f32 s9, s12;
	v7 =	vmul.f32 v7, v5  }
0x295: {  	s7 =	simm.s32 @p3 $0x1  }
0x296: {  	[smem:$0x7EA] =	sst s7;
	s7 =	spop (v2sf);
	s12 =	smov.u32 @p2 s9;
	v7 =	vadd.f32 $1.428571490e-01, v7  }
0x297: {  	s13 =	simm.s32 $0x1;
	p4 =	sgt.f32 s7, s12  }
0x298: {  	s13 =	simm.s32 @!p0 $0x0;
	v7 =	vmul.f32 v7, v5  }
0x299: {  	s19 =	spop (v2sf);
	s13 =	simm.s32 @p1 $0x2;
	s12 =	smov.u32 @p4 s7  }
0x29a: {  	s13 =	simm.s32 @p2 $0x3;
	p5 =	sgt.f32 s19, s12;
	v7 =	vadd.f32 $2.000000030e-01, v7  }
0x29b: {  	s13 =	simm.s32 @p4 $0x4  }
0x29c: {  	s13 =	simm.s32 @p5 $0x5;
	v7 =	vmul.f32 v7, v5  }
0x29d: {  	s14 =	smov.u32 s6;
	p0 =	sne.s32 s13, $0x0  }
0x29e: {  	s14 =	simm.s32 @!p0 $0xFF800000;
	v7 =	vadd.f32 $3.333333430e-01, v7  }
0x29f: {  	s14 =	simm.s32 @!p3 $0xFF800000  }
0x2a0: {  	p6 =	sgt.f32 s11, s14;
	v5 =	vmul.f32 v7, v5  }
0x2a1: {  	p1 =	sne.s32 s13, $0x1;
	s12 =	simm.s32 @!p0 $0x0  }
0x2a2: {  	s12 =	simm.s32 @p0 $0x1;
	p0 =	por !p1, !p6;
	v5 =	vadd.f32 v5, v5  }
0x2a3: {  	p4 =	por !p0, !p0  }
0x2a4: {  	s14 =	smov.u32 @p4 s11;
	v3 =	vshra.s32 v3, $0x17;
	v59 =	vsel vm15, $0xFFFFFF82, v2;
	v5 =	vmul.f32 v5, v4  }
0x2a5: {  	p2 =	sgt.f32 s10, s14;
	v2 =	vadd.s32 v3, v59  }
0x2a6: {  	p6 =	sne.s32 s13, $0x2;
	v2 =	vcvt.s32.f32 v2;
	v60 =	vadd.f32 v5, v4  }
0x2a7: {  	p0 =	por !p6, !p2  }
0x2a8: {  	p2 =	por !p0, !p0;
	v61 =	vmul.f32 $-2.121944420e-04, v2;
	v3 =	vadd.f32 v60, v4  }
0x2a9: {  	s14 =	smov.u32 @p2 s10  }
0x2aa: {  	[smem:$0x7E9] =	sst s12;
	s12 =	simm.s32 @!p1 $0x0;
	p3 =	sgt.f32 s9, s14;
	v2 =	vmul.f32 $6.933593750e-01, v2;
	v3 =	vadd.f32 v3, v61  }
0x2ab: {  	s12 =	simm.s32 @p1 $0x1;
	p1 =	sne.s32 s13, $0x3  }
0x2ac: {  	p0 =	por !p1, !p3;
	v2 =	vadd.f32 v3, v2  }
0x2ad: {  	p3 =	por !p0, !p0  }
0x2ae: {  	[smem:$0x7EB] =	sst s12;
	s12 =	simm.s32 @!p1 $0x0;
	s14 =	smov.u32 @p3 s9;
	v2 =	vsub.f32 $0.0e+00, v2  }
0x2af: {  	s12 =	simm.s32 @p1 $0x1;
	p1 =	sgt.f32 s7, s14  }
0x2b0: {  	p0 =	sne.s32 s13, $0x4;
	v2 =	vadd.f32 v2, v57  }
0x2b1: {  	[smem:$0x7EC] =	sst s12;
	s12 =	simm.s32 @!p0 $0x0;
	p1 =	por !p0, !p1  }
0x2b2: {  	s12 =	simm.s32 @p0 $0x1;
	p1 =	por !p1, !p1;
	(v2sf) =	vpush v2, $0x0  }
0x2b3: {  	[smem:$0x7ED] =	sst s12;
	s12 =	simm.s32 $0x1;
	s14 =	smov.u32 @p1 s7  }
0x2b4: {  	s12 =	simm.s32 @!p4 $0x0;
	p4 =	sgt.f32 s19, s14  }
0x2b5: {  	s12 =	simm.s32 @p2 $0x2;
	p2 =	por !p5, !p5;
	(v2sf) =	vpush v2, $0x1  }
0x2b6: {  	s21 =	sld [smem:$0x7EA];
	s12 =	simm.s32 @p3 $0x3;
	p0 =	por !p2, !p4  }
0x2b7: {  	s20 =	sld [smem:$0x7E9];
	s12 =	simm.s32 @p1 $0x4;
	p5 =	por !p0, !p0  }
0x2b8: {  	s22 =	sld [smem:$0x7EB];
	s12 =	simm.s32 @p5 $0x5;
	(v2sf) =	vpush v2, $0x2  }
0x2b9: {  	p0 =	sne.s32 s12, $0x0  }
0x2ba: {  	s13 =	simm.s32 @!p2 $0x0;
	s6 =	simm.s32 @!p0 $0xFF800000;
	p0 =	seq.s32 s20, $0x1;
	(v2sf) =	vpush v2, $0x3  }
0x2bb: {  	p3 =	seq.s32 s22, $0x1;
	s6 =	simm.s32 @!p0 $0xFF800000;
	p0 =	seq.s32 s21, $0x1  }
0x2bc: {  	s13 =	simm.s32 @p2 $0x1;
	p2 =	sne.s32 s12, $0x1;
	s6 =	simm.s32 @!p0 $0xFF800000  }
0x2bd: {  	p0 =	por !p2, !p3;
	p4 =	sgt.f32 s11, s6;
	(v2sf) =	vpush v2, $0x4  }
0x2be: {  	p0 =	por !p0, !p0  }
0x2bf: {  	s23 =	sld [smem:$0x7EC];
	p0 =	por !p0, !p4  }
0x2c0: {  	s24 =	sld [smem:$0x7ED];
	p3 =	por !p0, !p0;
	(v2sf) =	vpush v2, $0x5  }
0x2c1: {  	p1 =	sne.s32 s12, $0x2;
	s6 =	smov.u32 @p3 s11;
	s11 =	spop (v2sf)  }
0x2c2: {  	p0 =	por !p1, !p6;
	p2 =	sgt.f32 s10, s6;
	p1 =	sgt.f32 s11, $-Inf  }
0x2c3: {  	[smem:$0x7EE] =	sst s13;
	p0 =	por !p0, !p0  }
0x2c4: {  	p6 =	por !p0, !p2;
	s13 =	spop (v2sf);
	s11 =	simm.s32 @!p1 $0xFF800000  }
0x2c5: {  	s28 =	sld [smem:$0x7EE];
	p1 =	por !p6, !p6;
	p2 =	sgt.f32 s13, s11  }
0x2c6: {  	p0 =	sne.s32 s12, $0x3;
	p6 =	seq.s32 s23, $0x1;
	s6 =	smov.u32 @p1 s10  }
0x2c7: {  	p6 =	por !p0, !p6;
	s10 =	spop (v2sf);
	s11 =	smov.u32 @p2 s13  }
0x2c8: {  	p0 =	sgt.f32 s9, s6;
	s13 =	simm.s32 $0x1;
	p4 =	sgt.f32 s10, s11  }
0x2c9: {  	p6 =	por !p6, !p6;
	s14 =	spop (v2sf);
	s13 =	simm.s32 @!p3 $0x0  }
0x2ca: {  	p0 =	por !p6, !p0;
	p6 =	seq.s32 s24, $0x1;
	s11 =	smov.u32 @p4 s10  }
0x2cb: {  	s13 =	simm.s32 @p1 $0x2;
	p0 =	por !p0, !p0;
	p3 =	sgt.f32 s14, s11  }
0x2cc: {  	s6 =	smov.u32 @p0 s9;
	s9 =	spop (v2sf);
	s13 =	simm.s32 @p0 $0x3  }
0x2cd: {  	s10 =	simm.s32 $0x1;
	p0 =	sne.s32 s12, $0x4;
	s11 =	smov.u32 @p3 s14  }
0x2ce: {  	p0 =	por !p0, !p6;
	p6 =	sgt.f32 s7, s6;
	p1 =	sgt.f32 s9, s11  }
0x2cf: {  	s10 =	simm.s32 @!p2 $0x0;
	s25 =	spop (v2sf);
	p0 =	por !p0, !p0  }
0x2d0: {  	s10 =	simm.s32 @p4 $0x2;
	p0 =	por !p0, !p6;
	s11 =	smov.u32 @p1 s9  }
0x2d1: {  	s10 =	simm.s32 @p3 $0x3;
	p0 =	por !p0, !p0;
	p2 =	sgt.f32 s25, s11  }
0x2d2: {  	s6 =	smov.u32 @p0 s7;
	s10 =	simm.s32 @p1 $0x4  }
0x2d3: {  	s13 =	simm.s32 @p0 $0x4;
	p1 =	sgt.f32 s19, s6;
	s10 =	simm.s32 @p2 $0x5  }
0x2d4: {  	p0 =	por !p5, !p5;
	s6 =	smov.u32 s13;
	p2 =	seq.s32 s28, $0x1;
	v62 =	vmov s10  }
0x2d5: {  	s26 =	rddreg [dreg:$0xa];
	s6 =	simm.s32 @p1 $0x5;
	p0 =	por @!p2 p5, p5;
	[tilespmem:$0x100] =	vst v62  }
0x2d6: {  	[hbm4b:s26+s3] =	stream.linear.scatter [tilespmem:s5], [sflag:$0x1], $0x8, $0x38;
	[tilespmem:$0x200] =	vst v63  }
0x2d7: {  	s13 =	smov.u32 @p0 s6;
	p0 =	seq.s32 s12, s10;
	_ =	swait.ge [sflag:s2], $0x8  }
0x2d8: {  	s12 =	smov.u32 @p0 s13;
	[sflag:s2] =	ssyncset.done $0x0  }
0x2d9: {  	v63 =	vmov s12;
	[sflag:s2] =	ssyncadd.s32 $0xFFFFFFF8  }
0x2da: {  	s29 =	rddreg [dreg:$0xb];
	[tilespmem:$0x100] =	vst v63  }
0x2db: {  	[hbm4b:s29+s3] =	stream.linear.scatter [tilespmem:s5], [sflag:$0x1], $0x8, $0x38;
	[tilespmem:$0x200] =	vst v63  }
0x2dc: {  	_ =	swait.ge [sflag:s2], $0x8  }
0x2dd: {  	[sflag:s2] =	ssyncset.done $0x0  }
0x2de: {  	[sflag:s2] =	ssyncadd.s32 $0xFFFFFFF8  }
0x2df: {  	s30 =	rddreg [dreg:$0xc];
	[tilespmem:$0x180] =	vst v1  }
0x2e0: {  	[hbm4b:s30+s3] =	stream.linear.scatter [tilespmem:s4], [sflag:$0x1], $0x8, $0x38;
	[tilespmem:$0x200] =	vst v63  }
0x2e1: {  	_ =	swait.ge [sflag:s2], $0x8  }
0x2e2: {  	[sflag:s2] =	ssyncset.done $0x0  }
0x2e3: {  	[sflag:s2] =	ssyncadd.s32 $0xFFFFFFF8  }
0x2e4: {  	s31 =	rddreg [dreg:$0xd];
	[tilespmem:$0x180] =	vst v0  }
0x2e5: {  	[hbm4b:s31+s3] =	stream.linear.scatter [tilespmem:s4], [sflag:$0x1], $0x8, $0x38;
	[tilespmem:$0x200] =	vst v63  }
0x2e6: {  	_ =	swait.ge [sflag:s2], $0x8  }
0x2e7: {  	[sflag:s2] =	ssyncset.done $0x0  }
0x2e8: {  	[sflag:s2] =	ssyncadd.s32 $0xFFFFFFF8  }
.LBB2_7:
0x2e9: {  	_ =	sfence.sel $0x180000  }
0x2ea: {  	[bflag:$0x0] =	sbarrier.arrive $0xFFFF  }
0x2eb: {  	p0 =	sne.s32 s0, $0x0;
	_ =	strace $0x90000047  }
0x2ec: {  	s0 =	sadd.s32 @!p0 $0x100000, s1;
	[bflag:$0x2] =	sbarrier.arrive $0xFFFF  }
0x2ed: {  	[sflag:s0] =	ssyncadd.tile.s32 @!p0 $0x1;
	_ =	shalt  }
.LBB2_3:
.Ltmp4:
0x2ee: {  	(pc) =	sbr.rel .LBB2_6-.Ltmp4, $2  }
0x2ef: {  	_ =	sdelay $0x2  }
0x2f0: {  	p1 =	por $0x1, $0x1  }
.Lfunc_end2:
_tile_overlayer_lowered:
.L_overlay_start_2:
0x2f1: {  	(tag) =	ssettag $0x2  }
0x2f2: {  	s0 =	rddreg [dreg:$0x0];
	s2 =	stileid.u32  }
0x2f3: {  	s1 =	rddreg [dreg:$0x1];
	p0 =	sne.s32 s2, $0x0  }
0x2f4: {  	s3 =	rddreg [dreg:$0x2];
	[bflag:$0x3] =	sbarrier.arrive $0xFFFF;
	s2 =	simm.s32 @!p0 $0x1C01  }
0x2f5: {  	[timem:s3], [sflag:s2] =	dma.local @!p0 [hbm:s0], s1  }
0x2f6: {  	s0 =	simm.s32 @!p0 $0x1  }
0x2f7: {  	_ =	swait.ge @!p0 [sflag:s0], s1  }
0x2f8: {  	s1 =	ssub.s32 @!p0 $0x0, s1;
	[sflag:s0] =	ssyncset.done @!p0 $0x0  }
0x2f9: {  	[sflag:s0] =	ssyncadd.s32 @!p0 s1  }
0x2fa: {  	[bflag:$0x3] =	sbarrier.arrive $0xFFFF  }
0x2fb: {  	_ =	shalt  }

</sc_bundles>
